<compile_context>
chip_gen: v7x
topology: tpu7x:2x2x1
jax: 0.10.2.dev20260603
libtpu: 0.0.44.dev20260713+nightly
codegen_flags: <defaults>
</compile_context>

<pallas_src>
import jax
import jax.numpy as jnp
from jax import lax
from jax.experimental import pallas as pl
from jax.experimental.pallas import tpu as pltpu

N = 20000
NPAD = 20480
HEAD = 1024
MAXO = 1000
CHUNK = 512
NCHUNK = NPAD // CHUNK
HCHUNK = HEAD // CHUNK


def _iou_gt(y1a, x1a, y2a, x2a, y1b, x1b, y2b, x2b, t):
    iy1 = jnp.maximum(y1a, y1b)
    ix1 = jnp.maximum(x1a, x1b)
    iy2 = jnp.minimum(y2a, y2b)
    ix2 = jnp.minimum(x2a, x2b)
    inter = jnp.maximum(iy2 - iy1, 0.0) * jnp.maximum(ix2 - ix1, 0.0)
    area_a = (y2a - y1a) * (x2a - x1a)
    area_b = (y2b - y1b) * (x2b - x1b)
    union = area_a + area_b - inter
    iou = inter / jnp.maximum(union, 1e-8)
    return jnp.where(iou > t, 1.0, 0.0)


def _nms_kernel(t_ref, hminor_ref, bcol_hbm, keep_head_ref, keep_tail_ref,
                ohead_ref, rows_ref, sem):
    t = t_ref[0]

    def load_rows(r0):
        cp = pltpu.make_async_copy(
            bcol_hbm.at[:, pl.ds(r0, CHUNK), :], rows_ref, sem)
        cp.start()
        cp.wait()
        return [rows_ref[k][:, :, None] for k in range(4)]
    y1h = hminor_ref[0][None]
    x1h = hminor_ref[1][None]
    y2h = hminor_ref[2][None]
    x2h = hminor_ref[3][None]

    for h in range(HCHUNK):
        y1r, x1r, y2r, x2r = load_rows(h * CHUNK)
        ohead_ref[pl.ds(h * CHUNK, CHUNK)] = _iou_gt(
            y1r, x1r, y2r, x2r, y1h, x1h, y2h, x2h, t)

    idx = (lax.broadcasted_iota(jnp.int32, (8, 128), 0) * 128
           + lax.broadcasted_iota(jnp.int32, (8, 128), 1))

    def body(i, keep):
        row = ohead_ref[i]
        keep_i = jnp.sum(jnp.where(idx == i, keep, 0.0))
        sup = row * jnp.where(idx > i, 1.0, 0.0) * keep_i
        return keep * (1.0 - sup)

    keep = lax.fori_loop(0, MAXO, body, jnp.ones((8, 128), jnp.float32))
    keep_head_ref[...] = keep
    keep_row = (keep * jnp.where(idx < MAXO, 1.0, 0.0))[None]

    keep_tail_ref[...] = jnp.zeros((NPAD,), jnp.float32)

    def tail_cond(carry):
        c, count = carry
        return jnp.logical_and(c < NCHUNK, count < float(MAXO))

    def tail_body(carry):
        c, count = carry
        r0 = c * CHUNK
        y1r, x1r, y2r, x2r = load_rows(r0)
        o = _iou_gt(y1r, x1r, y2r, x2r, y1h, x1h, y2h, x2h, t)
        sup = jnp.sum(o * keep_row, axis=(1, 2))
        kv = jnp.where(sup < 0.5, 1.0, 0.0)
        keep_tail_ref[pl.ds(r0, CHUNK)] = kv
        return c + 1, count + jnp.sum(kv)

    lax.while_loop(tail_cond, tail_body, (HCHUNK, jnp.sum(keep)))


def kernel(boxes, scores, iou_threshold, max_out):
    order = jnp.argsort(-scores)
    boxes_s = jnp.take(boxes, order, axis=0)
    scores_s = jnp.take(scores, order, axis=0)

    t = jnp.asarray(0.7 * iou_threshold, jnp.float32).reshape(1)
    bpad = jnp.concatenate(
        [boxes_s, jnp.zeros((NPAD - N, 4), jnp.float32)], axis=0)
    bcol = bpad.T.reshape(4, NPAD, 1)
    hminor = bpad[:HEAD].T.reshape(4, 8, 128)

    keep_head, keep_tail = pl.pallas_call(
        _nms_kernel,
        out_shape=(jax.ShapeDtypeStruct((8, 128), jnp.float32),
                   jax.ShapeDtypeStruct((NPAD,), jnp.float32)),
        in_specs=[pl.BlockSpec(memory_space=pltpu.SMEM),
                  pl.BlockSpec(memory_space=pltpu.VMEM),
                  pl.BlockSpec(memory_space=pl.ANY)],
        out_specs=(pl.BlockSpec(memory_space=pltpu.VMEM),
                   pl.BlockSpec(memory_space=pltpu.VMEM)),
        scratch_shapes=[pltpu.VMEM((HEAD, 8, 128), jnp.float32),
                        pltpu.VMEM((4, CHUNK, 1), jnp.float32),
                        pltpu.SemaphoreType.DMA],
    )(t, hminor, bcol)

    keepf = jnp.concatenate([keep_head.reshape(HEAD), keep_tail[HEAD:]])[:N]
    keep = keepf > 0.5
    keep_scores = jnp.where(keep, scores_s, -jnp.inf)
    topk_scores, topk_idx = lax.top_k(keep_scores, MAXO)
    out_boxes = jnp.take(boxes_s, topk_idx, axis=0)
    valid = jnp.isfinite(topk_scores)
    out_boxes = jnp.where(valid[:, None], out_boxes, 0.0)
    out_scores = jnp.where(valid, topk_scores, 0.0)
    return out_boxes, out_scores

# --- scband reference (transcript-rebuilt; emitter-appended) ---
"""Pipeline reference for scband-rpnbase-model-60636348285610 (READ-ONLY COPY).

The authoritative reference and input builder live on the scoring server;
editing this copy changes nothing except your own understanding.
"""

import jax, jax.numpy as jnp
import numpy as np

N = 20000
MAX_OUT = 1000
IOU_THRESH = 0.7


def _make_boxes(key, n):
    k1, k2 = jax.random.split(key)
    yx1 = jax.random.uniform(k1, (n, 2)) * 0.9
    hw = jax.random.uniform(k2, (n, 2)) * 0.1 + 0.01
    yx2 = yx1 + hw
    return jnp.concatenate([yx1, yx2], axis=1)


def setup_inputs(seed: int = 0) -> dict:
    key = jax.random.key(seed)
    kb, ks = jax.random.split(key)
    boxes = _make_boxes(kb, N)
    scores = jax.random.uniform(ks, (N,))
    return {"boxes": boxes, "scores": scores, "iou_threshold": 1, "max_out": MAX_OUT}


def _pairwise_iou(boxes_a, boxes_b):
    # boxes: [..., (y1, x1, y2, x2)]
    y1a, x1a, y2a, x2a = boxes_a[:, 0:1], boxes_a[:, 1:2], boxes_a[:, 2:3], boxes_a[:, 3:4]
    y1b, x1b, y2b, x2b = boxes_b[None, :, 0], boxes_b[None, :, 1], boxes_b[None, :, 2], boxes_b[None, :, 3]
    inter_y1 = jnp.maximum(y1a, y1b)
    inter_x1 = jnp.maximum(x1a, x1b)
    inter_y2 = jnp.minimum(y2a, y2b)
    inter_x2 = jnp.minimum(x2a, x2b)
    inter = jnp.maximum(inter_y2 - inter_y1, 0.0) * jnp.maximum(inter_x2 - inter_x1, 0.0)
    area_a = (y2a - y1a) * (x2a - x1a)
    area_b = (y2b - y1b) * (x2b - x1b)
    union = area_a + area_b - inter
    return inter / jnp.maximum(union, 1e-8)


def reference(boxes, scores, iou_threshold, max_out):
    # Greedy NMS via iterative suppression, vectorized over candidates.
    # Sort by score descending (gather-heavy: argsort + take)
    order = jnp.argsort(-scores)
    boxes_s = jnp.take(boxes, order, axis=0)
    scores_s = jnp.take(scores, order, axis=0)

    iou = _pairwise_iou(boxes_s, boxes_s)  # [N, N]
    thresh = 0.7 * iou_threshold  # iou_threshold scalar placeholder = 0.7

    n = boxes_s.shape[0]

    def body(i, keep):
        # if box i is still kept, suppress all later boxes with IoU > thresh
        suppress = (iou[i] > thresh) & (jnp.arange(n) > i) & keep[i]
        return keep & (~suppress)

    # Full greedy NMS over N=20000 is O(N) sequential steps; use the standard
    # matrix-based approximation restricted to max_out iterations over the
    # highest-scoring candidates (matches RPN proposal-layer behavior where
    # only the top post-NMS boxes are needed).
    keep = jnp.ones((n,), dtype=bool)
    keep = jax.lax.fori_loop(0, max_out, body, keep)

    keep_scores = jnp.where(keep, scores_s, -jnp.inf)
    topk_scores, topk_idx = jax.lax.top_k(keep_scores, MAX_OUT)
    out_boxes = jnp.take(boxes_s, topk_idx, axis=0)
    valid = jnp.isfinite(topk_scores)
    out_boxes = jnp.where(valid[:, None], out_boxes, 0.0)
    out_scores = jnp.where(valid, topk_scores, 0.0)
    return out_boxes, out_scores

if __name__ == "__main__":
    import jax
    _d = setup_inputs()
    print(jax.jit(kernel)(*tuple(_d.values())))

</pallas_src>

<mosaic_0001>
module attributes {stable_mosaic.version = 14 : i64} {
  func.func @_nms_kernel(%arg0: memref<1xf32, #tpu.memory_space<smem>>, %arg1: memref<4x8x128xf32, #tpu.memory_space<vmem>>, %arg2: memref<4x20480x1xf32, #tpu.memory_space<any>>, %arg3: memref<8x128xf32, #tpu.memory_space<vmem>>, %arg4: memref<20480xf32, #tpu.memory_space<vmem>>, %arg5: memref<1024x8x128xf32, #tpu.memory_space<vmem>>, %arg6: memref<4x512x1xf32, #tpu.memory_space<vmem>>, %arg7: memref<!tpu.dma_semaphore, #tpu.memory_space<semaphore_mem>>) attributes {dimension_semantics = [], scalar_prefetch = 0 : i64, scratch_operands = 3 : i64, tpu.core_type = #tpu.core_type<tc>} {
    %get3A = arith.constant 0 : index
    %get3A_0 = memref.load %arg0[%get3A] : memref<1xf32, #tpu.memory_space<smem>>
    %get3A_1 = arith.constant 0 : index
    %get3A_2 = arith.constant 0 : index
    %get3A_3 = arith.constant 0 : index
    %get3A_4 = vector.load %arg1[%get3A_1, %get3A_2, %get3A_3] : memref<4x8x128xf32, #tpu.memory_space<vmem>>, vector<1x8x128xf32>
    %get3A_5 = vector.shape_cast %get3A_4 : vector<1x8x128xf32> to vector<8x128xf32>
    %broadcast_in_dim3A = vector.shape_cast %get3A_5 : vector<8x128xf32> to vector<1x8x128xf32>
    %get3A_6 = arith.constant 1 : index
    %get3A_7 = arith.constant 0 : index
    %get3A_8 = arith.constant 0 : index
    %get3A_9 = vector.load %arg1[%get3A_6, %get3A_7, %get3A_8] : memref<4x8x128xf32, #tpu.memory_space<vmem>>, vector<1x8x128xf32>
    %get3A_10 = vector.shape_cast %get3A_9 : vector<1x8x128xf32> to vector<8x128xf32>
    %broadcast_in_dim3A_11 = vector.shape_cast %get3A_10 : vector<8x128xf32> to vector<1x8x128xf32>
    %get3A_12 = arith.constant 2 : index
    %get3A_13 = arith.constant 0 : index
    %get3A_14 = arith.constant 0 : index
    %get3A_15 = vector.load %arg1[%get3A_12, %get3A_13, %get3A_14] : memref<4x8x128xf32, #tpu.memory_space<vmem>>, vector<1x8x128xf32>
    %get3A_16 = vector.shape_cast %get3A_15 : vector<1x8x128xf32> to vector<8x128xf32>
    %broadcast_in_dim3A_17 = vector.shape_cast %get3A_16 : vector<8x128xf32> to vector<1x8x128xf32>
    %get3A_18 = arith.constant 3 : index
    %get3A_19 = arith.constant 0 : index
    %get3A_20 = arith.constant 0 : index
    %get3A_21 = vector.load %arg1[%get3A_18, %get3A_19, %get3A_20] : memref<4x8x128xf32, #tpu.memory_space<vmem>>, vector<1x8x128xf32>
    %get3A_22 = vector.shape_cast %get3A_21 : vector<1x8x128xf32> to vector<8x128xf32>
    %broadcast_in_dim3A_23 = vector.shape_cast %get3A_22 : vector<8x128xf32> to vector<1x8x128xf32>
    %dma_start3A = arith.constant 0 : i32
    %dma_start3A_24 = arith.constant 0 : i32
    %dma_start3A_25 = arith.constant 0 : i32
    %dma_start3A_26 = tpu.memref_slice %arg2[%dma_start3A, %dma_start3A_24, %dma_start3A_25] : memref<4x20480x1xf32, #tpu.memory_space<any>> -> memref<4x512x1xf32, #tpu.memory_space<any>>
    tpu.enqueue_dma source(%dma_start3A_26 : memref<4x512x1xf32, #tpu.memory_space<any>>) target(%arg6 : memref<4x512x1xf32, #tpu.memory_space<vmem>>) target_semaphore(%arg7 : memref<!tpu.dma_semaphore, #tpu.memory_space<semaphore_mem>>)
    %dma_wait3A = arith.constant 0 : i32
    %dma_wait3A_27 = arith.constant 0 : i32
    %dma_wait3A_28 = arith.constant 0 : i32
    %dma_wait3A_29 = tpu.memref_slice %arg2[%dma_wait3A, %dma_wait3A_27, %dma_wait3A_28] : memref<4x20480x1xf32, #tpu.memory_space<any>> -> memref<4x512x1xf32, #tpu.memory_space<any>>
    tpu.wait_dma2 semaphore(%arg7 : memref<!tpu.dma_semaphore, #tpu.memory_space<semaphore_mem>>) src(%dma_wait3A_29 : memref<4x512x1xf32, #tpu.memory_space<any>>) dst(%arg6 : memref<4x512x1xf32, #tpu.memory_space<vmem>>)
    %get3A_30 = arith.constant 0 : index
    %get3A_31 = arith.constant 0 : index
    %get3A_32 = arith.constant 0 : index
    %get3A_33 = vector.load %arg6[%get3A_30, %get3A_31, %get3A_32] : memref<4x512x1xf32, #tpu.memory_space<vmem>>, vector<1x512x1xf32>
    %get3A_34 = vector.shape_cast %get3A_33 : vector<1x512x1xf32> to vector<512x1xf32>
    %broadcast_in_dim3A_35 = vector.shape_cast %get3A_34 : vector<512x1xf32> to vector<512x1x1xf32>
    %get3A_36 = arith.constant 1 : index
    %get3A_37 = arith.constant 0 : index
    %get3A_38 = arith.constant 0 : index
    %get3A_39 = vector.load %arg6[%get3A_36, %get3A_37, %get3A_38] : memref<4x512x1xf32, #tpu.memory_space<vmem>>, vector<1x512x1xf32>
    %get3A_40 = vector.shape_cast %get3A_39 : vector<1x512x1xf32> to vector<512x1xf32>
    %broadcast_in_dim3A_41 = vector.shape_cast %get3A_40 : vector<512x1xf32> to vector<512x1x1xf32>
    %get3A_42 = arith.constant 2 : index
    %get3A_43 = arith.constant 0 : index
    %get3A_44 = arith.constant 0 : index
    %get3A_45 = vector.load %arg6[%get3A_42, %get3A_43, %get3A_44] : memref<4x512x1xf32, #tpu.memory_space<vmem>>, vector<1x512x1xf32>
    %get3A_46 = vector.shape_cast %get3A_45 : vector<1x512x1xf32> to vector<512x1xf32>
    %broadcast_in_dim3A_47 = vector.shape_cast %get3A_46 : vector<512x1xf32> to vector<512x1x1xf32>
    %get3A_48 = arith.constant 3 : index
    %get3A_49 = arith.constant 0 : index
    %get3A_50 = arith.constant 0 : index
    %get3A_51 = vector.load %arg6[%get3A_48, %get3A_49, %get3A_50] : memref<4x512x1xf32, #tpu.memory_space<vmem>>, vector<1x512x1xf32>
    %get3A_52 = vector.shape_cast %get3A_51 : vector<1x512x1xf32> to vector<512x1xf32>
    %broadcast_in_dim3A_53 = vector.shape_cast %get3A_52 : vector<512x1xf32> to vector<512x1x1xf32>
    %max3A = vector.broadcast %broadcast_in_dim3A_35 : vector<512x1x1xf32> to vector<512x8x128xf32>
    %max3A_54 = vector.broadcast %broadcast_in_dim3A : vector<1x8x128xf32> to vector<512x8x128xf32>
    %max3A_55 = arith.maximumf %max3A, %max3A_54 : vector<512x8x128xf32>
    %max3A_56 = vector.broadcast %broadcast_in_dim3A_41 : vector<512x1x1xf32> to vector<512x8x128xf32>
    %max3A_57 = vector.broadcast %broadcast_in_dim3A_11 : vector<1x8x128xf32> to vector<512x8x128xf32>
    %max3A_58 = arith.maximumf %max3A_56, %max3A_57 : vector<512x8x128xf32>
    %min3A = vector.broadcast %broadcast_in_dim3A_47 : vector<512x1x1xf32> to vector<512x8x128xf32>
    %min3A_59 = vector.broadcast %broadcast_in_dim3A_17 : vector<1x8x128xf32> to vector<512x8x128xf32>
    %min3A_60 = arith.minimumf %min3A, %min3A_59 : vector<512x8x128xf32>
    %min3A_61 = vector.broadcast %broadcast_in_dim3A_53 : vector<512x1x1xf32> to vector<512x8x128xf32>
    %min3A_62 = vector.broadcast %broadcast_in_dim3A_23 : vector<1x8x128xf32> to vector<512x8x128xf32>
    %min3A_63 = arith.minimumf %min3A_61, %min3A_62 : vector<512x8x128xf32>
    %sub3A = arith.subf %min3A_60, %max3A_55 : vector<512x8x128xf32>
    %max3A_64 = arith.constant 0.000000e+00 : f32
    %max3A_65 = vector.broadcast %max3A_64 : f32 to vector<512x8x128xf32>
    %max3A_66 = arith.maximumf %sub3A, %max3A_65 : vector<512x8x128xf32>
    %sub3A_67 = arith.subf %min3A_63, %max3A_58 : vector<512x8x128xf32>
    %max3A_68 = arith.constant 0.000000e+00 : f32
    %max3A_69 = vector.broadcast %max3A_68 : f32 to vector<512x8x128xf32>
    %max3A_70 = arith.maximumf %sub3A_67, %max3A_69 : vector<512x8x128xf32>
    %mul3A = arith.mulf %max3A_66, %max3A_70 : vector<512x8x128xf32>
    %sub3A_71 = arith.subf %broadcast_in_dim3A_47, %broadcast_in_dim3A_35 : vector<512x1x1xf32>
    %sub3A_72 = arith.subf %broadcast_in_dim3A_53, %broadcast_in_dim3A_41 : vector<512x1x1xf32>
    %mul3A_73 = arith.mulf %sub3A_71, %sub3A_72 : vector<512x1x1xf32>
    %sub3A_74 = arith.subf %broadcast_in_dim3A_17, %broadcast_in_dim3A : vector<1x8x128xf32>
    %sub3A_75 = arith.subf %broadcast_in_dim3A_23, %broadcast_in_dim3A_11 : vector<1x8x128xf32>
    %mul3A_76 = arith.mulf %sub3A_74, %sub3A_75 : vector<1x8x128xf32>
    %add3A = vector.broadcast %mul3A_73 : vector<512x1x1xf32> to vector<512x8x128xf32>
    %add3A_77 = vector.broadcast %mul3A_76 : vector<1x8x128xf32> to vector<512x8x128xf32>
    %add3A_78 = arith.addf %add3A, %add3A_77 : vector<512x8x128xf32>
    %sub3A_79 = arith.subf %add3A_78, %mul3A : vector<512x8x128xf32>
    %max3A_80 = arith.constant 9.99999993E-9 : f32
    %max3A_81 = vector.broadcast %max3A_80 : f32 to vector<512x8x128xf32>
    %max3A_82 = arith.maximumf %sub3A_79, %max3A_81 : vector<512x8x128xf32>
    %div3A = arith.divf %mul3A, %max3A_82 : vector<512x8x128xf32>
    %gt3A = vector.broadcast %get3A_0 : f32 to vector<512x8x128xf32>
    %gt3A_83 = arith.cmpf ogt, %div3A, %gt3A : vector<512x8x128xf32>
    %jit3A = arith.constant 1.000000e+00 : f32
    %jit3A_84 = arith.constant 0.000000e+00 : f32
    %broadcast_in_dim3A_85 = vector.broadcast %jit3A : f32 to vector<512x8x128xf32>
    %broadcast_in_dim3A_86 = vector.broadcast %jit3A_84 : f32 to vector<512x8x128xf32>
    %select_n3A = arith.select %gt3A_83, %broadcast_in_dim3A_85, %broadcast_in_dim3A_86 : vector<512x8x128xi1>, vector<512x8x128xf32>
    %swap3A = arith.constant 0 : index
    %swap3A_87 = arith.constant 0 : index
    %swap3A_88 = arith.constant 0 : index
    %swap3A_89 = vector.load %arg5[%swap3A, %swap3A_87, %swap3A_88] : memref<1024x8x128xf32, #tpu.memory_space<vmem>>, vector<512x8x128xf32>
    tpu.vector_store %arg5[%swap3A, %swap3A_87, %swap3A_88], %select_n3A {strides = array<i32>} : memref<1024x8x128xf32, #tpu.memory_space<vmem>>, vector<512x8x128xf32>,
    %dma_start3A_90 = arith.constant 0 : i32
    %dma_start3A_91 = arith.constant 512 : i32
    %dma_start3A_92 = arith.constant 0 : i32
    %dma_start3A_93 = tpu.memref_slice %arg2[%dma_start3A_90, %dma_start3A_91, %dma_start3A_92] : memref<4x20480x1xf32, #tpu.memory_space<any>> -> memref<4x512x1xf32, #tpu.memory_space<any>>
    tpu.enqueue_dma source(%dma_start3A_93 : memref<4x512x1xf32, #tpu.memory_space<any>>) target(%arg6 : memref<4x512x1xf32, #tpu.memory_space<vmem>>) target_semaphore(%arg7 : memref<!tpu.dma_semaphore, #tpu.memory_space<semaphore_mem>>)
    %dma_wait3A_94 = arith.constant 0 : i32
    %dma_wait3A_95 = arith.constant 512 : i32
    %dma_wait3A_96 = arith.constant 0 : i32
    %dma_wait3A_97 = tpu.memref_slice %arg2[%dma_wait3A_94, %dma_wait3A_95, %dma_wait3A_96] : memref<4x20480x1xf32, #tpu.memory_space<any>> -> memref<4x512x1xf32, #tpu.memory_space<any>>
    tpu.wait_dma2 semaphore(%arg7 : memref<!tpu.dma_semaphore, #tpu.memory_space<semaphore_mem>>) src(%dma_wait3A_97 : memref<4x512x1xf32, #tpu.memory_space<any>>) dst(%arg6 : memref<4x512x1xf32, #tpu.memory_space<vmem>>)
    %get3A_98 = arith.constant 0 : index
    %get3A_99 = arith.constant 0 : index
    %get3A_100 = arith.constant 0 : index
    %get3A_101 = vector.load %arg6[%get3A_98, %get3A_99, %get3A_100] : memref<4x512x1xf32, #tpu.memory_space<vmem>>, vector<1x512x1xf32>
    %get3A_102 = vector.shape_cast %get3A_101 : vector<1x512x1xf32> to vector<512x1xf32>
    %broadcast_in_dim3A_103 = vector.shape_cast %get3A_102 : vector<512x1xf32> to vector<512x1x1xf32>
    %get3A_104 = arith.constant 1 : index
    %get3A_105 = arith.constant 0 : index
    %get3A_106 = arith.constant 0 : index
    %get3A_107 = vector.load %arg6[%get3A_104, %get3A_105, %get3A_106] : memref<4x512x1xf32, #tpu.memory_space<vmem>>, vector<1x512x1xf32>
    %get3A_108 = vector.shape_cast %get3A_107 : vector<1x512x1xf32> to vector<512x1xf32>
    %broadcast_in_dim3A_109 = vector.shape_cast %get3A_108 : vector<512x1xf32> to vector<512x1x1xf32>
    %get3A_110 = arith.constant 2 : index
    %get3A_111 = arith.constant 0 : index
    %get3A_112 = arith.constant 0 : index
    %get3A_113 = vector.load %arg6[%get3A_110, %get3A_111, %get3A_112] : memref<4x512x1xf32, #tpu.memory_space<vmem>>, vector<1x512x1xf32>
    %get3A_114 = vector.shape_cast %get3A_113 : vector<1x512x1xf32> to vector<512x1xf32>
    %broadcast_in_dim3A_115 = vector.shape_cast %get3A_114 : vector<512x1xf32> to vector<512x1x1xf32>
    %get3A_116 = arith.constant 3 : index
    %get3A_117 = arith.constant 0 : index
    %get3A_118 = arith.constant 0 : index
    %get3A_119 = vector.load %arg6[%get3A_116, %get3A_117, %get3A_118] : memref<4x512x1xf32, #tpu.memory_space<vmem>>, vector<1x512x1xf32>
    %get3A_120 = vector.shape_cast %get3A_119 : vector<1x512x1xf32> to vector<512x1xf32>
    %broadcast_in_dim3A_121 = vector.shape_cast %get3A_120 : vector<512x1xf32> to vector<512x1x1xf32>
    %max3A_122 = vector.broadcast %broadcast_in_dim3A_103 : vector<512x1x1xf32> to vector<512x8x128xf32>
    %max3A_123 = vector.broadcast %broadcast_in_dim3A : vector<1x8x128xf32> to vector<512x8x128xf32>
    %max3A_124 = arith.maximumf %max3A_122, %max3A_123 : vector<512x8x128xf32>
    %max3A_125 = vector.broadcast %broadcast_in_dim3A_109 : vector<512x1x1xf32> to vector<512x8x128xf32>
    %max3A_126 = vector.broadcast %broadcast_in_dim3A_11 : vector<1x8x128xf32> to vector<512x8x128xf32>
    %max3A_127 = arith.maximumf %max3A_125, %max3A_126 : vector<512x8x128xf32>
    %min3A_128 = vector.broadcast %broadcast_in_dim3A_115 : vector<512x1x1xf32> to vector<512x8x128xf32>
    %min3A_129 = vector.broadcast %broadcast_in_dim3A_17 : vector<1x8x128xf32> to vector<512x8x128xf32>
    %min3A_130 = arith.minimumf %min3A_128, %min3A_129 : vector<512x8x128xf32>
    %min3A_131 = vector.broadcast %broadcast_in_dim3A_121 : vector<512x1x1xf32> to vector<512x8x128xf32>
    %min3A_132 = vector.broadcast %broadcast_in_dim3A_23 : vector<1x8x128xf32> to vector<512x8x128xf32>
    %min3A_133 = arith.minimumf %min3A_131, %min3A_132 : vector<512x8x128xf32>
    %sub3A_134 = arith.subf %min3A_130, %max3A_124 : vector<512x8x128xf32>
    %max3A_135 = arith.constant 0.000000e+00 : f32
    %max3A_136 = vector.broadcast %max3A_135 : f32 to vector<512x8x128xf32>
    %max3A_137 = arith.maximumf %sub3A_134, %max3A_136 : vector<512x8x128xf32>
    %sub3A_138 = arith.subf %min3A_133, %max3A_127 : vector<512x8x128xf32>
    %max3A_139 = arith.constant 0.000000e+00 : f32
    %max3A_140 = vector.broadcast %max3A_139 : f32 to vector<512x8x128xf32>
    %max3A_141 = arith.maximumf %sub3A_138, %max3A_140 : vector<512x8x128xf32>
    %mul3A_142 = arith.mulf %max3A_137, %max3A_141 : vector<512x8x128xf32>
    %sub3A_143 = arith.subf %broadcast_in_dim3A_115, %broadcast_in_dim3A_103 : vector<512x1x1xf32>
    %sub3A_144 = arith.subf %broadcast_in_dim3A_121, %broadcast_in_dim3A_109 : vector<512x1x1xf32>
    %mul3A_145 = arith.mulf %sub3A_143, %sub3A_144 : vector<512x1x1xf32>
    %sub3A_146 = arith.subf %broadcast_in_dim3A_17, %broadcast_in_dim3A : vector<1x8x128xf32>
    %sub3A_147 = arith.subf %broadcast_in_dim3A_23, %broadcast_in_dim3A_11 : vector<1x8x128xf32>
    %mul3A_148 = arith.mulf %sub3A_146, %sub3A_147 : vector<1x8x128xf32>
    %add3A_149 = vector.broadcast %mul3A_145 : vector<512x1x1xf32> to vector<512x8x128xf32>
    %add3A_150 = vector.broadcast %mul3A_148 : vector<1x8x128xf32> to vector<512x8x128xf32>
    %add3A_151 = arith.addf %add3A_149, %add3A_150 : vector<512x8x128xf32>
    %sub3A_152 = arith.subf %add3A_151, %mul3A_142 : vector<512x8x128xf32>
    %max3A_153 = arith.constant 9.99999993E-9 : f32
    %max3A_154 = vector.broadcast %max3A_153 : f32 to vector<512x8x128xf32>
    %max3A_155 = arith.maximumf %sub3A_152, %max3A_154 : vector<512x8x128xf32>
    %div3A_156 = arith.divf %mul3A_142, %max3A_155 : vector<512x8x128xf32>
    %gt3A_157 = vector.broadcast %get3A_0 : f32 to vector<512x8x128xf32>
    %gt3A_158 = arith.cmpf ogt, %div3A_156, %gt3A_157 : vector<512x8x128xf32>
    %jit3A_159 = arith.constant 1.000000e+00 : f32
    %jit3A_160 = arith.constant 0.000000e+00 : f32
    %broadcast_in_dim3A_161 = vector.broadcast %jit3A_159 : f32 to vector<512x8x128xf32>
    %broadcast_in_dim3A_162 = vector.broadcast %jit3A_160 : f32 to vector<512x8x128xf32>
    %select_n3A_163 = arith.select %gt3A_158, %broadcast_in_dim3A_161, %broadcast_in_dim3A_162 : vector<512x8x128xi1>, vector<512x8x128xf32>
    %swap3A_164 = arith.constant 512 : index
    %swap3A_165 = arith.constant 0 : index
    %swap3A_166 = arith.constant 0 : index
    %swap3A_167 = vector.load %arg5[%swap3A_164, %swap3A_165, %swap3A_166] : memref<1024x8x128xf32, #tpu.memory_space<vmem>>, vector<512x8x128xf32>
    tpu.vector_store %arg5[%swap3A_164, %swap3A_165, %swap3A_166], %select_n3A_163 {strides = array<i32>} : memref<1024x8x128xf32, #tpu.memory_space<vmem>>, vector<512x8x128xf32>,
    %iota3A = tpu.iota {dimensions = array<i32: 0>} : vector<8x128xi32>
    %mul3A_168 = arith.constant 128 : i32
    %mul3A_169 = vector.broadcast %mul3A_168 : i32 to vector<8x128xi32>
    %mul3A_170 = arith.muli %iota3A, %mul3A_169 : vector<8x128xi32>
    %iota3A_171 = tpu.iota {dimensions = array<i32: 1>} : vector<8x128xi32>
    %add3A_172 = arith.addi %mul3A_170, %iota3A_171 : vector<8x128xi32>
    %broadcast_in_dim3A_173 = arith.constant 1.000000e+00 : f32
    %broadcast_in_dim3A_174 = vector.broadcast %broadcast_in_dim3A_173 : f32 to vector<8x128xf32>
    %scan3A = arith.constant 0 : i32
    %scan3A_175 = arith.constant 1000 : i32
    %scan3A_176 = arith.addi %scan3A, %scan3A_175 : i32
    %scan3A_177 = arith.constant 1 : i32
    %scan3A_178 = scf.for %scan3A_201 = %scan3A to %scan3A_176 step %scan3A_177 iter_args(%scan3A_202 = %broadcast_in_dim3A_174) -> (vector<8x128xf32>)  : i32 {
      %get3A_203 = arith.index_cast %scan3A_201 : i32 to index
      %get3A_204 = arith.constant 0 : index
      %get3A_205 = arith.constant 0 : index
      %get3A_206 = vector.load %arg5[%get3A_203, %get3A_204, %get3A_205] : memref<1024x8x128xf32, #tpu.memory_space<vmem>>, vector<1x8x128xf32>
      %get3A_207 = vector.shape_cast %get3A_206 : vector<1x8x128xf32> to vector<8x128xf32>
      %eq3A = vector.broadcast %scan3A_201 : i32 to vector<8x128xi32>
      %eq3A_208 = arith.cmpi eq, %add3A_172, %eq3A : vector<8x128xi32>
      %jit3A_209 = arith.constant 0.000000e+00 : f32
      %broadcast_in_dim3A_210 = vector.broadcast %jit3A_209 : f32 to vector<8x128xf32>
      %select_n3A_211 = arith.select %eq3A_208, %scan3A_202, %broadcast_in_dim3A_210 : vector<8x128xi1>, vector<8x128xf32>
      %reduce_sum3A_212 = vector.shape_cast %select_n3A_211 : vector<8x128xf32> to vector<1x8x128xf32>
      %reduce_sum3A_213 = arith.constant dense<0.000000e+00> : vector<1xf32>
      %reduce_sum3A_214 = vector.multi_reduction <add>, %reduce_sum3A_212, %reduce_sum3A_213 [1, 2] : vector<1x8x128xf32> to vector<1xf32>
      %reduce_sum3A_215 = vector.shape_cast %reduce_sum3A_214 : vector<1xf32> to vector<1x1x1xf32>
      %reduce_sum3A_216 = vector.extract %reduce_sum3A_215[0, 0, 0] : f32 from vector<1x1x1xf32>
      %gt3A_217 = vector.broadcast %scan3A_201 : i32 to vector<8x128xi32>
      %gt3A_218 = arith.cmpi sgt, %add3A_172, %gt3A_217 : vector<8x128xi32>
      %jit3A_219 = arith.constant 1.000000e+00 : f32
      %jit3A_220 = arith.constant 0.000000e+00 : f32
      %broadcast_in_dim3A_221 = vector.broadcast %jit3A_219 : f32 to vector<8x128xf32>
      %broadcast_in_dim3A_222 = vector.broadcast %jit3A_220 : f32 to vector<8x128xf32>
      %select_n3A_223 = arith.select %gt3A_218, %broadcast_in_dim3A_221, %broadcast_in_dim3A_222 : vector<8x128xi1>, vector<8x128xf32>
      %mul3A_224 = arith.mulf %get3A_207, %select_n3A_223 : vector<8x128xf32>
      %mul3A_225 = vector.broadcast %reduce_sum3A_216 : f32 to vector<8x128xf32>
      %mul3A_226 = arith.mulf %mul3A_224, %mul3A_225 : vector<8x128xf32>
      %sub3A_227 = arith.constant 1.000000e+00 : f32
      %sub3A_228 = vector.broadcast %sub3A_227 : f32 to vector<8x128xf32>
      %sub3A_229 = arith.subf %sub3A_228, %mul3A_226 : vector<8x128xf32>
      %mul3A_230 = arith.mulf %scan3A_202, %sub3A_229 : vector<8x128xf32>
      scf.yield %mul3A_230 : vector<8x128xf32>
    }
    %scan3A_179 = arith.constant 1000 : i32
    %swap3A_180 = arith.constant 0 : index
    %swap3A_181 = arith.constant 0 : index
    %swap3A_182 = vector.load %arg3[%swap3A_180, %swap3A_181] : memref<8x128xf32, #tpu.memory_space<vmem>>, vector<8x128xf32>
    tpu.vector_store %arg3[%swap3A_180, %swap3A_181], %scan3A_178 {strides = array<i32>} : memref<8x128xf32, #tpu.memory_space<vmem>>, vector<8x128xf32>,
    %lt3A = arith.constant 1000 : i32
    %lt3A_183 = vector.broadcast %lt3A : i32 to vector<8x128xi32>
    %lt3A_184 = arith.cmpi slt, %add3A_172, %lt3A_183 : vector<8x128xi32>
    %jit3A_185 = arith.constant 1.000000e+00 : f32
    %jit3A_186 = arith.constant 0.000000e+00 : f32
    %broadcast_in_dim3A_187 = vector.broadcast %jit3A_185 : f32 to vector<8x128xf32>
    %broadcast_in_dim3A_188 = vector.broadcast %jit3A_186 : f32 to vector<8x128xf32>
    %select_n3A_189 = arith.select %lt3A_184, %broadcast_in_dim3A_187, %broadcast_in_dim3A_188 : vector<8x128xi1>, vector<8x128xf32>
    %mul3A_190 = arith.mulf %scan3A_178, %select_n3A_189 : vector<8x128xf32>
    %broadcast_in_dim3A_191 = vector.shape_cast %mul3A_190 : vector<8x128xf32> to vector<1x8x128xf32>
    %broadcast_in_dim3A_192 = arith.constant 0.000000e+00 : f32
    %broadcast_in_dim3A_193 = vector.broadcast %broadcast_in_dim3A_192 : f32 to vector<20480xf32>
    %swap3A_194 = arith.constant 0 : index
    %swap3A_195 = vector.load %arg4[%swap3A_194] : memref<20480xf32, #tpu.memory_space<vmem>>, vector<20480xf32>
    tpu.vector_store %arg4[%swap3A_194], %broadcast_in_dim3A_193 {strides = array<i32>} : memref<20480xf32, #tpu.memory_space<vmem>>, vector<20480xf32>,
    %reduce_sum3A = vector.shape_cast %scan3A_178 : vector<8x128xf32> to vector<1x8x128xf32>
    %reduce_sum3A_196 = arith.constant dense<0.000000e+00> : vector<1xf32>
    %reduce_sum3A_197 = vector.multi_reduction <add>, %reduce_sum3A, %reduce_sum3A_196 [1, 2] : vector<1x8x128xf32> to vector<1xf32>
    %reduce_sum3A_198 = vector.shape_cast %reduce_sum3A_197 : vector<1xf32> to vector<1x1x1xf32>
    %reduce_sum3A_199 = vector.extract %reduce_sum3A_198[0, 0, 0] : f32 from vector<1x1x1xf32>
    %while3A = arith.constant 2 : i32
    %while3A_200:2 = scf.while (%while3A_201 = %while3A, %while3A_202 = %reduce_sum3A_199) : (i32, f32) -> (i32, f32) {
      %lt3A_203 = arith.constant 40 : i32
      %lt3A_204 = arith.cmpi slt, %while3A_201, %lt3A_203 : i32
      %lt3A_205 = arith.constant 1.000000e+03 : f32
      %lt3A_206 = arith.cmpf olt, %while3A_202, %lt3A_205 : f32
      %and3A = arith.andi %lt3A_204, %lt3A_206 : i1
      scf.condition(%and3A) %while3A_201, %while3A_202 : i32, f32
    } do {
    ^bb0(%while3A_201: i32, %while3A_202: f32):
      %mul3A_203 = arith.constant 512 : i32
      %mul3A_204 = arith.muli %while3A_201, %mul3A_203 : i32
      %dma_start3A_205 = arith.constant 0 : i32
      %dma_start3A_206 = arith.constant 0 : i32
      %dma_start3A_207 = tpu.memref_slice %arg2[%dma_start3A_205, %mul3A_204, %dma_start3A_206] : memref<4x20480x1xf32, #tpu.memory_space<any>> -> memref<4x512x1xf32, #tpu.memory_space<any>>
      tpu.enqueue_dma source(%dma_start3A_207 : memref<4x512x1xf32, #tpu.memory_space<any>>) target(%arg6 : memref<4x512x1xf32, #tpu.memory_space<vmem>>) target_semaphore(%arg7 : memref<!tpu.dma_semaphore, #tpu.memory_space<semaphore_mem>>)
      %dma_wait3A_208 = arith.constant 0 : i32
      %dma_wait3A_209 = arith.constant 0 : i32
      %dma_wait3A_210 = tpu.memref_slice %arg2[%dma_wait3A_208, %mul3A_204, %dma_wait3A_209] : memref<4x20480x1xf32, #tpu.memory_space<any>> -> memref<4x512x1xf32, #tpu.memory_space<any>>
      tpu.wait_dma2 semaphore(%arg7 : memref<!tpu.dma_semaphore, #tpu.memory_space<semaphore_mem>>) src(%dma_wait3A_210 : memref<4x512x1xf32, #tpu.memory_space<any>>) dst(%arg6 : memref<4x512x1xf32, #tpu.memory_space<vmem>>)
      %get3A_211 = arith.constant 0 : index
      %get3A_212 = arith.constant 0 : index
      %get3A_213 = arith.constant 0 : index
      %get3A_214 = vector.load %arg6[%get3A_211, %get3A_212, %get3A_213] : memref<4x512x1xf32, #tpu.memory_space<vmem>>, vector<1x512x1xf32>
      %get3A_215 = vector.shape_cast %get3A_214 : vector<1x512x1xf32> to vector<512x1xf32>
      %broadcast_in_dim3A_216 = vector.shape_cast %get3A_215 : vector<512x1xf32> to vector<512x1x1xf32>
      %get3A_217 = arith.constant 1 : index
      %get3A_218 = arith.constant 0 : index
      %get3A_219 = arith.constant 0 : index
      %get3A_220 = vector.load %arg6[%get3A_217, %get3A_218, %get3A_219] : memref<4x512x1xf32, #tpu.memory_space<vmem>>, vector<1x512x1xf32>
      %get3A_221 = vector.shape_cast %get3A_220 : vector<1x512x1xf32> to vector<512x1xf32>
      %broadcast_in_dim3A_222 = vector.shape_cast %get3A_221 : vector<512x1xf32> to vector<512x1x1xf32>
      %get3A_223 = arith.constant 2 : index
      %get3A_224 = arith.constant 0 : index
      %get3A_225 = arith.constant 0 : index
      %get3A_226 = vector.load %arg6[%get3A_223, %get3A_224, %get3A_225] : memref<4x512x1xf32, #tpu.memory_space<vmem>>, vector<1x512x1xf32>
      %get3A_227 = vector.shape_cast %get3A_226 : vector<1x512x1xf32> to vector<512x1xf32>
      %broadcast_in_dim3A_228 = vector.shape_cast %get3A_227 : vector<512x1xf32> to vector<512x1x1xf32>
      %get3A_229 = arith.constant 3 : index
      %get3A_230 = arith.constant 0 : index
      %get3A_231 = arith.constant 0 : index
      %get3A_232 = vector.load %arg6[%get3A_229, %get3A_230, %get3A_231] : memref<4x512x1xf32, #tpu.memory_space<vmem>>, vector<1x512x1xf32>
      %get3A_233 = vector.shape_cast %get3A_232 : vector<1x512x1xf32> to vector<512x1xf32>
      %broadcast_in_dim3A_234 = vector.shape_cast %get3A_233 : vector<512x1xf32> to vector<512x1x1xf32>
      %max3A_235 = vector.broadcast %broadcast_in_dim3A_216 : vector<512x1x1xf32> to vector<512x8x128xf32>
      %max3A_236 = vector.broadcast %broadcast_in_dim3A : vector<1x8x128xf32> to vector<512x8x128xf32>
      %max3A_237 = arith.maximumf %max3A_235, %max3A_236 : vector<512x8x128xf32>
      %max3A_238 = vector.broadcast %broadcast_in_dim3A_222 : vector<512x1x1xf32> to vector<512x8x128xf32>
      %max3A_239 = vector.broadcast %broadcast_in_dim3A_11 : vector<1x8x128xf32> to vector<512x8x128xf32>
      %max3A_240 = arith.maximumf %max3A_238, %max3A_239 : vector<512x8x128xf32>
      %min3A_241 = vector.broadcast %broadcast_in_dim3A_228 : vector<512x1x1xf32> to vector<512x8x128xf32>
      %min3A_242 = vector.broadcast %broadcast_in_dim3A_17 : vector<1x8x128xf32> to vector<512x8x128xf32>
      %min3A_243 = arith.minimumf %min3A_241, %min3A_242 : vector<512x8x128xf32>
      %min3A_244 = vector.broadcast %broadcast_in_dim3A_234 : vector<512x1x1xf32> to vector<512x8x128xf32>
      %min3A_245 = vector.broadcast %broadcast_in_dim3A_23 : vector<1x8x128xf32> to vector<512x8x128xf32>
      %min3A_246 = arith.minimumf %min3A_244, %min3A_245 : vector<512x8x128xf32>
      %sub3A_247 = arith.subf %min3A_243, %max3A_237 : vector<512x8x128xf32>
      %max3A_248 = arith.constant 0.000000e+00 : f32
      %max3A_249 = vector.broadcast %max3A_248 : f32 to vector<512x8x128xf32>
      %max3A_250 = arith.maximumf %sub3A_247, %max3A_249 : vector<512x8x128xf32>
      %sub3A_251 = arith.subf %min3A_246, %max3A_240 : vector<512x8x128xf32>
      %max3A_252 = arith.constant 0.000000e+00 : f32
      %max3A_253 = vector.broadcast %max3A_252 : f32 to vector<512x8x128xf32>
      %max3A_254 = arith.maximumf %sub3A_251, %max3A_253 : vector<512x8x128xf32>
      %mul3A_255 = arith.mulf %max3A_250, %max3A_254 : vector<512x8x128xf32>
      %sub3A_256 = arith.subf %broadcast_in_dim3A_228, %broadcast_in_dim3A_216 : vector<512x1x1xf32>
      %sub3A_257 = arith.subf %broadcast_in_dim3A_234, %broadcast_in_dim3A_222 : vector<512x1x1xf32>
      %mul3A_258 = arith.mulf %sub3A_256, %sub3A_257 : vector<512x1x1xf32>
      %sub3A_259 = arith.subf %broadcast_in_dim3A_17, %broadcast_in_dim3A : vector<1x8x128xf32>
      %sub3A_260 = arith.subf %broadcast_in_dim3A_23, %broadcast_in_dim3A_11 : vector<1x8x128xf32>
      %mul3A_261 = arith.mulf %sub3A_259, %sub3A_260 : vector<1x8x128xf32>
      %add3A_262 = vector.broadcast %mul3A_258 : vector<512x1x1xf32> to vector<512x8x128xf32>
      %add3A_263 = vector.broadcast %mul3A_261 : vector<1x8x128xf32> to vector<512x8x128xf32>
      %add3A_264 = arith.addf %add3A_262, %add3A_263 : vector<512x8x128xf32>
      %sub3A_265 = arith.subf %add3A_264, %mul3A_255 : vector<512x8x128xf32>
      %max3A_266 = arith.constant 9.99999993E-9 : f32
      %max3A_267 = vector.broadcast %max3A_266 : f32 to vector<512x8x128xf32>
      %max3A_268 = arith.maximumf %sub3A_265, %max3A_267 : vector<512x8x128xf32>
      %div3A_269 = arith.divf %mul3A_255, %max3A_268 : vector<512x8x128xf32>
      %gt3A_270 = vector.broadcast %get3A_0 : f32 to vector<512x8x128xf32>
      %gt3A_271 = arith.cmpf ogt, %div3A_269, %gt3A_270 : vector<512x8x128xf32>
      %jit3A_272 = arith.constant 1.000000e+00 : f32
      %jit3A_273 = arith.constant 0.000000e+00 : f32
      %broadcast_in_dim3A_274 = vector.broadcast %jit3A_272 : f32 to vector<512x8x128xf32>
      %broadcast_in_dim3A_275 = vector.broadcast %jit3A_273 : f32 to vector<512x8x128xf32>
      %select_n3A_276 = arith.select %gt3A_271, %broadcast_in_dim3A_274, %broadcast_in_dim3A_275 : vector<512x8x128xi1>, vector<512x8x128xf32>
      %mul3A_277 = vector.broadcast %broadcast_in_dim3A_191 : vector<1x8x128xf32> to vector<512x8x128xf32>
      %mul3A_278 = arith.mulf %select_n3A_276, %mul3A_277 : vector<512x8x128xf32>
      %reduce_sum3A_279 = arith.constant dense<0.000000e+00> : vector<512xf32>
      %reduce_sum3A_280 = vector.multi_reduction <add>, %mul3A_278, %reduce_sum3A_279 [1, 2] : vector<512x8x128xf32> to vector<512xf32>
      %lt3A_281 = arith.constant 5.000000e-01 : f32
      %lt3A_282 = vector.broadcast %lt3A_281 : f32 to vector<512xf32>
      %lt3A_283 = arith.cmpf olt, %reduce_sum3A_280, %lt3A_282 : vector<512xf32>
      %jit3A_284 = arith.constant 1.000000e+00 : f32
      %jit3A_285 = arith.constant 0.000000e+00 : f32
      %broadcast_in_dim3A_286 = vector.broadcast %jit3A_284 : f32 to vector<512xf32>
      %broadcast_in_dim3A_287 = vector.broadcast %jit3A_285 : f32 to vector<512xf32>
      %select_n3A_288 = arith.select %lt3A_283, %broadcast_in_dim3A_286, %broadcast_in_dim3A_287 : vector<512xi1>, vector<512xf32>
      %swap3A_289 = arith.index_cast %mul3A_204 : i32 to index
      %swap3A_290 = vector.load %arg4[%swap3A_289] : memref<20480xf32, #tpu.memory_space<vmem>>, vector<512xf32>
      tpu.vector_store %arg4[%swap3A_289], %select_n3A_288 {strides = array<i32>} : memref<20480xf32, #tpu.memory_space<vmem>>, vector<512xf32>,
      %add3A_291 = arith.constant 1 : i32
      %add3A_292 = arith.addi %while3A_201, %add3A_291 : i32
      %reduce_sum3A_293 = vector.shape_cast %select_n3A_288 : vector<512xf32> to vector<1x512xf32>
      %reduce_sum3A_294 = arith.constant dense<0.000000e+00> : vector<1xf32>
      %reduce_sum3A_295 = vector.multi_reduction <add>, %reduce_sum3A_293, %reduce_sum3A_294 [1] : vector<1x512xf32> to vector<1xf32>
      %reduce_sum3A_296 = vector.shape_cast %reduce_sum3A_295 : vector<1xf32> to vector<1x1xf32>
      %reduce_sum3A_297 = vector.extract %reduce_sum3A_296[0, 0] : f32 from vector<1x1xf32>
      %add3A_298 = arith.addf %while3A_202, %reduce_sum3A_297 : f32
      scf.yield %add3A_292, %add3A_298 : i32, f32
    }
    return
  }
}

</mosaic_0001>

<sc_bundles>
// kernel: gather_offload_async_start.1
scs
__scs_entry_jumppad:
0x0: {  	(pc) =	sbr.rel $0x88, $3  }
0x1: {  	(tag) =	ssettag $0x0;
	lr =	simm.s32 $0x1  }
0x2: {  	[smem:$0x3F9E] =	sst lr;
	_ =	strace $0xD0000000  }
0x3: {  	_ = 	snop  }
0x4: {  	_ = 	snop  }
0x5: {  	_ = 	snop  }
0x6: {  	_ = 	snop  }
0x7: {  	_ = 	snop  }
__scs_overlays_trampoline_lowered:
0x8: {  	[smem:$0x3FAD] =	sst s0  }
0x9: {  	[smem:$0x3FAE] =	sst s1  }
0xa: {  	[smem:$0x3FAF] =	sst s2  }
0xb: {  	[smem:$0x3FB0] =	sst s3  }
0xc: {  	[smem:$0x3FB1] =	sst s4  }
0xd: {  	[smem:$0x3FB2] =	sst s5  }
0xe: {  	[smem:$0x3FB3] =	sst s6  }
0xf: {  	[smem:$0x3FB4] =	sst s7  }
0x10: {  	[smem:$0x3FB5] =	sst s8  }
0x11: {  	[smem:$0x3FB6] =	sst s9;
	s0 =	simm.s32 @!p0 $0x0  }
0x12: {  	s1 =	sld [smem:$0x3F9C];
	s0 =	simm.s32 @p0 $0x1  }
0x13: {  	[smem:$0x3FB7] =	sst s0;
	s0 =	simm.s32 @!p1 $0x0  }
0x14: {  	s2 =	sld [smem:$0x3F9B];
	s0 =	simm.s32 @p1 $0x1  }
0x15: {  	[smem:$0x3FB8] =	sst s0;
	s0 =	simm.s32 @!p2 $0x0  }
0x16: {  	s3 =	sld [smem:$0x3FDB];
	s0 =	simm.s32 @p2 $0x1  }
0x17: {  	s4 =	simm.s32 $0x1BF5;
	[smem:$0x3FBA] =	sst s0  }
0x18: {  	s0 =	sld [smem:$0x3F9D];
	_ =	swait.ge [sflag:s4], $0x0  }
0x19: {  	s7 =	sld [smem:$0x3F9E]  }
0x1a: {  	s8 =	sadd.s32 $0xFFFFE003, lr  }
0x1b: {  	s9 =	sadd.s32 $0xFFFFFEF7, lr;
	s5 =	simm.s32 $0xFFFFFFFF;
	p2 =	slt.u32 s8, $0xFFFFF086  }
0x1c: {  	p1 =	slt.u32 s9, $0xF7A;
	s5 =	simm.s32 @!p2 $0x0  }
0x1d: {  	s5 =	simm.s32 @p1 $0x1;
	p0 =	seq.s32 s7, s2  }
0x1e: {  	s7 =	smul.u32 @!p0 $0xF7A, s2;
	p2 =	seq.s32 @!p0 s5, $0x0  }
0x1f: {  	s9 =	smul.u32 $0xF7A, s1;
	s8 =	simm.s32 @!p0 $0x1BF5;
	p2 =	por !p2, p0  }
0x20: {  	[sflag:s8] =	ssyncset.s32 @!p0 $0xFFFFF086;
	s6 =	sadd.s32 @!p0 s3, s7;
	s7 =	simm.s32 @!p0 $0x108  }
0x21: {  	s3 =	sadd.s32 s3, s9;
	s6 =	sadd.s32 @!p0 $0x88, s6;
	s7 =	simm.s32 @p2 $0x1082  }
0x22: {  	[simem:s7], [sflag:s8] =	dma.local @!p0 [hbm:s6], $0xF7A  }
0x23: {  	s9 =	sor.u32 $0xD0000000, s2;
	s6 =	simm.s32 $0x108;
	_ =	swait.ge @!p0 [sflag:s8], $0x0  }
0x24: {  	s3 =	sadd.s32 $0x88, s3;
	s6 =	simm.s32 @!p1 $0x1082;
	[sflag:s4] =	ssyncset.s32 $0xFFFFF086  }
0x25: {  	[simem:s6], [sflag:s4] =	dma.local [hbm:s3], $0xF7A  }
0x26: {  	[smem:$0x3F9E] =	sst s1;
	(tag) =	ssettag s2;
	_ =	strace s9  }
0x27: {  	s1 =	sld [smem:$0x3FAE]  }
0x28: {  	s2 =	sld [smem:$0x3FAF]  }
0x29: {  	s4 =	sld [smem:$0x3FB1]  }
0x2a: {  	p0 =	seq.s32 s5, $0x0;
	s5 =	sld [smem:$0x3FB2]  }
0x2b: {  	s6 =	sld [smem:$0x3FB3]  }
0x2c: {  	s7 =	sld [smem:$0x3FB4]  }
0x2d: {  	s3 =	simm.s32 $0x108;
	s8 =	sld [smem:$0x3FB5]  }
0x2e: {  	s3 =	simm.s32 @!p0 $0x1082;
	s9 =	sld [smem:$0x3FB6]  }
0x2f: {  	lr =	sadd.s32 s0, s3;
	s0 =	sld [smem:$0x3FAD]  }
0x30: {  	s3 =	sld [smem:$0x3FB0]  }
0x31: {  	[smem:$0x3FB9] =	sst s10  }
0x32: {  	s10 =	sld [smem:$0x3FB7];
	_ =	sdelay $0x3  }
0x33: {  	p0 =	seq.s32 s10, $0x1;
	s10 =	sld [smem:$0x3FB9];
	_ =	sdelay $0x3  }
0x34: {  	[smem:$0x3FB9] =	sst s10  }
0x35: {  	s10 =	sld [smem:$0x3FB8];
	_ =	sdelay $0x3  }
0x36: {  	p1 =	seq.s32 s10, $0x1;
	s10 =	sld [smem:$0x3FB9];
	_ =	sdelay $0x3  }
0x37: {  	[smem:$0x3FB9] =	sst s10  }
0x38: {  	s10 =	sld [smem:$0x3FBA]  }
0x39: {  	_ = 	snop;
	(pc) =	sbr.ind lr, $3  }
0x3a: {  	_ = 	snop  }
0x3b: {  	_ = 	snop  }
0x3c: {  	p2 =	seq.s32 s10, $0x1;
	s10 =	sld [smem:$0x3FB9]  }
0x3d: {  	_ =	shalt  }
0x3e: {  	_ =	shalt  }
0x3f: {  	_ =	shalt  }
0x40: {  	_ =	shalt  }
0x41: {  	_ =	shalt  }
0x42: {  	_ =	shalt  }
0x43: {  	_ =	shalt  }
0x44: {  	_ =	shalt  }
0x45: {  	_ =	shalt  }
0x46: {  	_ =	shalt  }
0x47: {  	_ =	shalt  }
0x48: {  	_ =	shalt  }
0x49: {  	_ =	shalt  }
0x4a: {  	_ =	shalt  }
0x4b: {  	_ =	shalt  }
0x4c: {  	_ =	shalt  }
0x4d: {  	_ =	shalt  }
0x4e: {  	_ =	shalt  }
0x4f: {  	_ =	shalt  }
0x50: {  	_ =	shalt  }
0x51: {  	_ =	shalt  }
0x52: {  	_ =	shalt  }
0x53: {  	_ =	shalt  }
0x54: {  	_ =	shalt  }
0x55: {  	_ =	shalt  }
0x56: {  	_ =	shalt  }
0x57: {  	_ =	shalt  }
0x58: {  	_ =	shalt  }
0x59: {  	_ =	shalt  }
0x5a: {  	_ =	shalt  }
0x5b: {  	_ =	shalt  }
0x5c: {  	_ =	shalt  }
0x5d: {  	_ =	shalt  }
0x5e: {  	_ =	shalt  }
0x5f: {  	_ =	shalt  }
0x60: {  	_ =	shalt  }
0x61: {  	_ =	shalt  }
0x62: {  	_ =	shalt  }
0x63: {  	_ =	shalt  }
0x64: {  	_ =	shalt  }
0x65: {  	_ =	shalt  }
0x66: {  	_ =	shalt  }
0x67: {  	_ =	shalt  }
0x68: {  	_ =	shalt  }
0x69: {  	_ =	shalt  }
0x6a: {  	_ =	shalt  }
0x6b: {  	_ =	shalt  }
0x6c: {  	_ =	shalt  }
0x6d: {  	_ =	shalt  }
0x6e: {  	_ =	shalt  }
0x6f: {  	_ =	shalt  }
0x70: {  	_ =	shalt  }
0x71: {  	_ =	shalt  }
0x72: {  	_ =	shalt  }
0x73: {  	_ =	shalt  }
0x74: {  	_ =	shalt  }
0x75: {  	_ =	shalt  }
0x76: {  	_ =	shalt  }
0x77: {  	_ =	shalt  }
0x78: {  	_ =	shalt  }
0x79: {  	_ =	shalt  }
0x7a: {  	_ =	shalt  }
0x7b: {  	_ =	shalt  }
0x7c: {  	_ =	shalt  }
0x7d: {  	_ =	shalt  }
0x7e: {  	_ =	shalt  }
0x7f: {  	_ =	shalt  }
0x80: {  	_ =	shalt  }
0x81: {  	_ =	shalt  }
0x82: {  	_ =	shalt  }
0x83: {  	_ =	shalt  }
0x84: {  	_ =	shalt  }
0x85: {  	_ =	shalt  }
0x86: {  	_ =	shalt  }
0x87: {  	_ =	shalt  }
.Lfunc_end0:
.L_simem_size_0:
called_computation.1_lowered:
.L_overlay_start_0:
0x88: {  	s2 =	sld [smem:$0x3FD9]  }
0x89: {  	s3 =	sld [smem:$0x3FFE];
	_ =	sdelay $0x1  }
0x8a: {  	s1 =	srdreg.scid  }
0x8b: {  	s0 =	sand.u32 $0x1, s1  }
0x8c: {  	s17 =	sshll.u32 s0, $0xA;
	s2 =	sadd.s32 s3, s2  }
0x8d: {  	s2 =	sadd.s32 s2, s17  }
0x8e: {  	[smem:$0x3FC5] =	sst s2  }
0x8f: {  	_ = 	snop  }
0x90: {  	s2 =	sld [smem:$0x3FC8];
	(tm) =	ssettm $0x1  }
0x91: {  	s18 =	sld [smem:$0x3FFB];
	_ =	sdelay $0x3  }
0x92: {  	_ =	strace s18  }
0x93: {  	s3 =	sld [smem:$0x3FFC];
	_ =	sdelay $0x3  }
0x94: {  	_ =	strace s3  }
0x95: {  	s3 =	sld [smem:$0x3FFD];
	_ =	sdelay $0x3  }
0x96: {  	_ =	strace s3  }
0x97: {  	_ =	strace $0x8FFFFFFF  }
0x98: {  	s19 =	sld [smem:$0x3FDB];
	_ =	sdelay $0x1  }
0x99: {  	s4 =	simm.s32 $_scs_section_size  }
0x9a: {  	s5 =	simm.s32 $_size__tile_overlayer_lowered;
	s6 =	simm.s32 $_tile_overlayer_lowered  }
0x9b: {  	s22 =	simm.s32 $0x1BFF;
	s21 =	sshll.u32 s6, $0x1;
	s3 =	sadd.s32 s4, s19  }
0x9c: {  	s7 =	simm.s32 $0x0;
	s20 =	sshll.u32 s5, $0x1;
	s5 =	sadd.s32 s21, s3  }
0x9d: {  	[timem:s7], [sflag:s22] =	dma.local [hbm:s5], s20  }
0x9e: {  	_ =	swait.ge [sflag:s22], s20  }
0x9f: {  	s4 =	ssub.s32 $0x0, s20;
	[sflag:s22] =	ssyncset.done $0x0  }
0xa0: {  	[sflag:s22] =	ssyncadd.s32 s4;
	_ =	sdelay $0x1  }
0xa1: {  	s23 =	simm.s32 $0x1B8B  }
0xa2: {  	_ =	swait.ge [sflag:s23], $0x1  }
0xa3: {  	[sflag:s23] =	ssyncset.done $0x0  }
0xa4: {  	s25 =	simm.s32 $0x1B8E;
	s24 =	sld [smem:$0x3FFE];
	[sflag:s23] =	ssyncadd.s32 $0xFFFFFFFF  }
0xa5: {  	s26 =	simm.s32 $execute0_lowered;
	[smem:$0x3FD2] =	sst s25  }
0xa6: {  	s5 =	sshll.u32 s26, $0x1;
	_ =	strace $0x80000049;
	[dreg:$0x1] =	wrdreg $0xFFFFFFFF  }
0xa7: {  	s28 =	simm.s32 $_size_execute0_lowered;
	s3 =	sadd.s32 s3, s5;
	[dreg:$0x0] =	wrdreg $0x0  }
0xa8: {  	s5 =	sshll.u32 s28, $0x1;
	[dreg:$0x2] =	wrdreg s3  }
0xa9: {  	[dreg:$0x3] =	wrdreg s5  }
0xaa: {  	[dreg:$0x4] =	wrdreg $0xC0  }
0xab: {  	_ =	task [dreg:s7], $0x5FFFF  }
0xac: {  	[dreg:$0x1] =	wrdreg $0xFFFFFFFF  }
0xad: {  	[dreg:$0x0] =	wrdreg $0x60  }
0xae: {  	[dreg:$0x2] =	wrdreg s2  }
0xaf: {  	[dreg:$0x3] =	wrdreg s24  }
0xb0: {  	[dreg:$0x4] =	wrdreg $0x9  }
0xb1: {  	_ =	task.clear_ibuf [dreg:s7], $0x5FFFF;
	_ =	strace $0x90000049  }
0xb2: {  	s29 =	simm.s32 $0x9;
	_ =	strace $0x8000004B  }
0xb3: {  	_ =	swait.ge [sflag:s29], $0x1  }
0xb4: {  	[sflag:s29] =	ssyncadd.s32 $0xFFFFFFFF  }
0xb5: {  	_ =	strace $0x9000004B  }
0xb6: {  	_ =	sfence  }
0xb7: {  	s30 =	sld [smem:$0x0];
	_ =	sdelay $0x2  }
0xb8: {  	s31 =	sshll.u32 s1, $0xD;
	s1 =	sshrl.u32 s1, $0x2  }
0xb9: {  	s3 =	sand.u32 $0x4000, s31;
	s1 =	sadd.s32 s1, s30  }
0xba: {  	s0 =	sor.u32 s3, s0;
	s1 =	sshll.u32 s1, $0x11  }
0xbb: {  	s0 =	sor.u32 s1, s0  }
0xbc: {  	s0 =	sadd.s32 $0x8F2B, s0  }
0xbd: {  	[sflag:s0] =	ssyncadd.remote.s32 $0x1  }
0xbe: {  	_ =	sfence.sel $0xFFFF  }
0xbf: {  	[dreg:$0x0] =	wrdreg $0xFFFFFFFF;
	(pc) =	sbr.abs _section_cstart, $3  }
0xc0: {  	[dreg:$0x1] =	wrdreg $0xFFFFFFFF  }
0xc1: {  	_ =	task.clear_ibuf [dreg:s7], $0x2FFFF;
	_ =	strace $0x9FFFFFFF  }
0xc2: {  	(tm) =	ssettm $0x7FFFFFFF  }
0xc3: {  	_ =	shalt  }
tec
execute0_lowered:
.L_overlay_start_1:
0x0: {  	(tag) =	ssettag $0x1  }
0x1: {  	s2 =	rddreg [dreg:$0x0]  }
0x2: {  	s3 =	rddreg [dreg:$0x1];
	s1 =	stileid.u32  }
0x3: {  	s4 =	srdreg.scid;
	s0 =	rddreg [dreg:$0x2];
	_ =	strace $0x8000004A  }
0x4: {  	s7 =	simm.s32 $0x1;
	s8 =	simm.s32 $0x1;
	s9 =	simm.s32 $0x3  }
0x5: {  	s10 =	simm.s32 $0x0;
	s5 =	sand.u32 $0x1, s4;
	s6 =	sshll.u32 s1, $0x1  }
0x6: {  	s13 =	simm.s32 $0x0;
	s4 =	simm.s32 $0x1;
	s5 =	sor.u32 s6, s5  }
.Ltmp0:
0x7: {  	[sflag:s4] =	ssyncpa.u1 $0x0;
	p0 =	slt.u32 s5, $0x13;
	(pc) =	sbr.rel .LBB2_1-.Ltmp0, $4  }
0x8: {  	s6 =	simm.s32 $0x2;
	s7 =	simm.s32 @!p0 $0x0;
	p0 =	sne.s32 s5, $0x12  }
0x9: {  	[sflag:s6] =	ssyncpa.u1 $0x0;
	s5 =	smul.u32 $0x190, s5;
	s8 =	simm.s32 @!p0 $0x0  }
0xa: {  	s12 =	simm.s32 $0x0;
	[sflag:s9] =	ssyncpa.u1 $0x0;
	s7 =	sadd.s32 s8, s7  }
0xb: {  	vm0 =	vmmov $0xffff;
	s8 =	sadd.s32 $0x4EC00, s3;
	s11 =	smov.u32 s5;
	s9 =	sadd.s32 $0x1, s7  }
.LBB2_4:
0xc: {  	v2 =	vnsel vm1, $0x0, v2  }
0xd: {  	vm1 =	vgt.s32 v0, $0x0;
	v2 =	vmin.u32 v2, $0x4E1F  }
0xe: {  	v0 =	vnsel vm1, $0x0, v0  }
0xf: {  	v0 =	vmin.u32 v0, $0x4E1F  }
0x10: {  	[tilespmem:s18], [sflag:$0x1] =	stream.indirect_vreg.gather [hbm4b:s2+s10], $0x1, v1, vm0, $0x4038;
	[tilespmem:$0x640] =	vst v63  }
0x11: {  	(ifvalue) =	ssetifvalue $0x7FFFFFFF  }
0x12: {  	[tilespmem:s15], [sflag:$0x1] =	stream.indirect_vreg.gather [hbm4b:s2+s10], $0x1, v2, vm0, $0x4038;
	[tilespmem:$0x640] =	vst v63  }
0x13: {  	s29 =	sadd.s32 $0x10, s15;
	(ifvalue) =	ssetifvalue $0x7FFFFFFF  }
0x14: {  	[tilespmem:s29], [sflag:$0x1] =	stream.indirect_vreg.gather [hbm4b:s2+s10], $0x1, v0, vm0, $0x4038;
	[tilespmem:$0x640] =	vst v63  }
0x15: {  	_ =	swait.ge [sflag:s4], $0x190  }
0x16: {  	s30 =	sshrl.u32 s13, $0x3;
	[sflag:s4] =	ssyncset.done $0x0  }
0x17: {  	s31 =	sand.u32 $0x7, s13;
	s15 =	sadd.s32 s8, s30;
	[sflag:s4] =	ssyncadd.s32 $0xFFFFFE70  }
0x18: {  	[hbm4b:s15+s31] =	stream.linear.scatter [tilespmem:s14], [sflag:$0x3], $0x190, $0x38;
	[tilespmem:$0x640] =	vst v63  }
.LBB2_5:
0x19: {  	s15 =	sadd.s32 $0x3200, s11  }
0x1a: {  	p1 =	sgt.s32 s15, $0x4E1F  }
0x1b: {  	s15 =	smov.u32 @p1 s5;
	p1 =	sne.s32 s12, s9  }
.Ltmp1:
0x1c: {  	p0 =	slt.u32 s12, $0x2;
	(pc) =	sbr.rel @!p1 .LBB2_6-.Ltmp1, $4  }
0x1d: {  	s14 =	simm.s32 @!p0 $0x3  }
0x1e: {  	_ =	swait.ge @!p0 [sflag:s14], $0x190  }
0x1f: {  	s16 =	sadd.s32 $0x1, s12;
	s13 =	smov.u32 s11;
	[sflag:s14] =	ssyncset.done @!p0 $0x0  }
0x20: {  	s12 =	smov.u32 s16;
	s11 =	smov.u32 s15;
	[sflag:s14] =	ssyncadd.s32 @!p0 $0xFFFFFE70  }
.LBB2_1:
0x21: {  	p0 =	sge.u32 s12, s7  }
0x22: {  	s14 =	sxor.u32 @!p0 $0x1, s12  }
0x23: {  	s14 =	smul.u32 @!p0 $0x640, s14  }
0x24: {  	s31 =	sadd.s32 $0xFFFFFFFF, s12;
	s15 =	sshrl.u32 @!p0 s11, $0x3  }
0x25: {  	s16 =	sand.u32 @!p0 $0x7, s11;
	s15 =	sadd.s32 @!p0 s3, s15;
	s14 =	sshra.s32 @!p0 s14, $0x2  }
0x26: {  	[tilespmem:s14], [sflag:$0x2] =	stream.linear.gather @!p0 [hbm4b:s15+s16], $0x190, $0x38;
	[tilespmem:$0x640] =	vst v63  }
0x27: {  	p0 =	sge.u32 s31, s7  }
.Ltmp2:
0x28: {  	_ = 	snop;
	(pc) =	sbr.rel @p0 .LBB2_5-.Ltmp2, $1  }
0x29: {  	_ =	sdelay $0x3  }
0x2a: {  	s14 =	sand.u32 $0x1, s12  }
0x2b: {  	_ =	swait.ge [sflag:s6], $0x190;
	p0 =	seq.s32 s14, $0x1;
	s14 =	simm.s32 $0x190  }
0x2c: {  	[sflag:s6] =	ssyncset.done $0x0;
	s14 =	simm.s32 @!p0 $0x0  }
0x2d: {  	[sflag:s6] =	ssyncadd.s32 $0xFFFFFE70;
	(ifvalue) =	ssetifvalue $0x7FFFFFFF;
	v0 =	vld.msk [tilespmem:s14+$0x0 ss:$0x1], $0xffff;
	_ =	sdelay $0x4  }
0x2e: {  	s15 =	sadd.s32 $0x10, s14;
	vm1 =	vgt.s32 v0, $0x0  }
0x2f: {  	v2 =	vld.msk [tilespmem:s15+$0x0 ss:$0x1], $0xffff;
	v1 =	vnsel vm1, $0x0, v0  }
0x30: {  	v1 =	vmin.u32 v1, $0x4E1F;
	_ =	sdelay $0x2  }
0x31: {  	s17 =	simm.s32 $0x20;
	s14 =	sadd.s32 $0x320, s14;
	s16 =	sadd.s32 $0x10, s15  }
0x32: {  	s15 =	sadd.s32 $0x10, s14;
	s18 =	smov.u32 s14;
	v0 =	vld.msk [tilespmem:s16+$0x0 ss:$0x1], $0xffff;
	vm1 =	vgt.s32 v2, $0x0;
	(ifvalue) =	ssetifvalue $0x7FFFFFFF  }
.LBB2_3:
0x33: {  	[tilespmem:s18], [sflag:$0x1] =	stream.indirect_vreg.gather [hbm4b:s2+s10], $0x1, v1, vm0, $0x4038;
	[tilespmem:$0x640] =	vst v63  }
0x34: {  	s17 =	sadd.s32 $0x10, s17  }
0x35: {  	v2 =	vnsel vm1, $0x0, v2;
	p0 =	slt.u32 s17, $0x180  }
.Ltmp3:
0x36: {  	s18 =	smov.u32 s15;
	v1 =	vmin.u32 v2, $0x4E1F;
	(pc) =	sbr.rel @p0 .LBB2_3-.Ltmp3, $3  }
0x37: {  	_ =	sdelay $0x1  }
0x38: {  	s16 =	sadd.s32 $0x10, s16  }
0x39: {  	vm1 =	vgt.s32 v0, $0x0;
	s15 =	sadd.s32 $0x10, s15;
	v2 =	vmov v0;
	(ifvalue) =	ssetifvalue $0x7FFFFFFF;
	v0 =	vld.msk [tilespmem:s16+$0x0 ss:$0x1], $0xffff  }
.Ltmp4:
0x3a: {  	_ = 	snop;
	(pc) =	sbr.rel .LBB2_4-.Ltmp4, $1  }
0x3b: {  	_ =	sdelay $0x3  }
.LBB2_6:
0x3c: {  	_ =	sfence.sel $0x180000  }
0x3d: {  	s2 =	simm.s32 $0x2;
	[bflag:$0x0] =	sbarrier.arrive $0xFFFF  }
0x3e: {  	s30 =	simm.s32 $0x3;
	[sflag:s2] =	ssyncpa.u1 $0x1  }
0x3f: {  	s31 =	simm.s32 $0x1;
	[sflag:s30] =	ssyncpa.u1 $0x1  }
0x40: {  	[sflag:s31] =	ssyncpa.u1 $0x1  }
0x41: {  	p0 =	sne.s32 s1, $0x0;
	_ =	strace $0x9000004A  }
0x42: {  	s0 =	sadd.s32 @!p0 $0x100000, s0;
	[bflag:$0x2] =	sbarrier.arrive $0xFFFF  }
0x43: {  	[sflag:s0] =	ssyncadd.tile.s32 @!p0 $0x1;
	_ =	shalt  }
.Lfunc_end2:
_tile_overlayer_lowered:
.L_overlay_start_2:
0x44: {  	(tag) =	ssettag $0x2  }
0x45: {  	s0 =	rddreg [dreg:$0x0];
	s2 =	stileid.u32  }
0x46: {  	s1 =	rddreg [dreg:$0x1];
	p0 =	sne.s32 s2, $0x0  }
0x47: {  	s3 =	rddreg [dreg:$0x2];
	[bflag:$0x3] =	sbarrier.arrive $0xFFFF;
	s2 =	simm.s32 @!p0 $0x1C01  }
0x48: {  	[timem:s3], [sflag:s2] =	dma.local @!p0 [hbm:s0], s1  }
0x49: {  	s0 =	simm.s32 @!p0 $0x1  }
0x4a: {  	_ =	swait.ge @!p0 [sflag:s0], s1  }
0x4b: {  	s1 =	ssub.s32 @!p0 $0x0, s1;
	[sflag:s0] =	ssyncset.done @!p0 $0x0  }
0x4c: {  	[sflag:s0] =	ssyncadd.s32 @!p0 s1  }
0x4d: {  	[bflag:$0x3] =	sbarrier.arrive $0xFFFF  }
0x4e: {  	_ =	shalt  }

// kernel: gather_offload_async_start
scs
__scs_entry_jumppad:
0x0: {  	(pc) =	sbr.rel $0x88, $3  }
0x1: {  	(tag) =	ssettag $0x0;
	lr =	simm.s32 $0x1  }
0x2: {  	[smem:$0x3F9E] =	sst lr;
	_ =	strace $0xD0000000  }
0x3: {  	_ = 	snop  }
0x4: {  	_ = 	snop  }
0x5: {  	_ = 	snop  }
0x6: {  	_ = 	snop  }
0x7: {  	_ = 	snop  }
__scs_overlays_trampoline_lowered:
0x8: {  	[smem:$0x3FAD] =	sst s0  }
0x9: {  	[smem:$0x3FAE] =	sst s1  }
0xa: {  	[smem:$0x3FAF] =	sst s2  }
0xb: {  	[smem:$0x3FB0] =	sst s3  }
0xc: {  	[smem:$0x3FB1] =	sst s4  }
0xd: {  	[smem:$0x3FB2] =	sst s5  }
0xe: {  	[smem:$0x3FB3] =	sst s6  }
0xf: {  	[smem:$0x3FB4] =	sst s7  }
0x10: {  	[smem:$0x3FB5] =	sst s8  }
0x11: {  	[smem:$0x3FB6] =	sst s9;
	s0 =	simm.s32 @!p0 $0x0  }
0x12: {  	s1 =	sld [smem:$0x3F9C];
	s0 =	simm.s32 @p0 $0x1  }
0x13: {  	[smem:$0x3FB7] =	sst s0;
	s0 =	simm.s32 @!p1 $0x0  }
0x14: {  	s2 =	sld [smem:$0x3F9B];
	s0 =	simm.s32 @p1 $0x1  }
0x15: {  	[smem:$0x3FB8] =	sst s0;
	s0 =	simm.s32 @!p2 $0x0  }
0x16: {  	s3 =	sld [smem:$0x3FDB];
	s0 =	simm.s32 @p2 $0x1  }
0x17: {  	s4 =	simm.s32 $0x1BF5;
	[smem:$0x3FBA] =	sst s0  }
0x18: {  	s0 =	sld [smem:$0x3F9D];
	_ =	swait.ge [sflag:s4], $0x0  }
0x19: {  	s7 =	sld [smem:$0x3F9E]  }
0x1a: {  	s8 =	sadd.s32 $0xFFFFE003, lr  }
0x1b: {  	s9 =	sadd.s32 $0xFFFFFEF7, lr;
	s5 =	simm.s32 $0xFFFFFFFF;
	p2 =	slt.u32 s8, $0xFFFFF086  }
0x1c: {  	p1 =	slt.u32 s9, $0xF7A;
	s5 =	simm.s32 @!p2 $0x0  }
0x1d: {  	s5 =	simm.s32 @p1 $0x1;
	p0 =	seq.s32 s7, s2  }
0x1e: {  	s7 =	smul.u32 @!p0 $0xF7A, s2;
	p2 =	seq.s32 @!p0 s5, $0x0  }
0x1f: {  	s9 =	smul.u32 $0xF7A, s1;
	s8 =	simm.s32 @!p0 $0x1BF5;
	p2 =	por !p2, p0  }
0x20: {  	[sflag:s8] =	ssyncset.s32 @!p0 $0xFFFFF086;
	s6 =	sadd.s32 @!p0 s3, s7;
	s7 =	simm.s32 @!p0 $0x108  }
0x21: {  	s3 =	sadd.s32 s3, s9;
	s6 =	sadd.s32 @!p0 $0x88, s6;
	s7 =	simm.s32 @p2 $0x1082  }
0x22: {  	[simem:s7], [sflag:s8] =	dma.local @!p0 [hbm:s6], $0xF7A  }
0x23: {  	s9 =	sor.u32 $0xD0000000, s2;
	s6 =	simm.s32 $0x108;
	_ =	swait.ge @!p0 [sflag:s8], $0x0  }
0x24: {  	s3 =	sadd.s32 $0x88, s3;
	s6 =	simm.s32 @!p1 $0x1082;
	[sflag:s4] =	ssyncset.s32 $0xFFFFF086  }
0x25: {  	[simem:s6], [sflag:s4] =	dma.local [hbm:s3], $0xF7A  }
0x26: {  	[smem:$0x3F9E] =	sst s1;
	(tag) =	ssettag s2;
	_ =	strace s9  }
0x27: {  	s1 =	sld [smem:$0x3FAE]  }
0x28: {  	s2 =	sld [smem:$0x3FAF]  }
0x29: {  	s4 =	sld [smem:$0x3FB1]  }
0x2a: {  	p0 =	seq.s32 s5, $0x0;
	s5 =	sld [smem:$0x3FB2]  }
0x2b: {  	s6 =	sld [smem:$0x3FB3]  }
0x2c: {  	s7 =	sld [smem:$0x3FB4]  }
0x2d: {  	s3 =	simm.s32 $0x108;
	s8 =	sld [smem:$0x3FB5]  }
0x2e: {  	s3 =	simm.s32 @!p0 $0x1082;
	s9 =	sld [smem:$0x3FB6]  }
0x2f: {  	lr =	sadd.s32 s0, s3;
	s0 =	sld [smem:$0x3FAD]  }
0x30: {  	s3 =	sld [smem:$0x3FB0]  }
0x31: {  	[smem:$0x3FB9] =	sst s10  }
0x32: {  	s10 =	sld [smem:$0x3FB7];
	_ =	sdelay $0x3  }
0x33: {  	p0 =	seq.s32 s10, $0x1;
	s10 =	sld [smem:$0x3FB9];
	_ =	sdelay $0x3  }
0x34: {  	[smem:$0x3FB9] =	sst s10  }
0x35: {  	s10 =	sld [smem:$0x3FB8];
	_ =	sdelay $0x3  }
0x36: {  	p1 =	seq.s32 s10, $0x1;
	s10 =	sld [smem:$0x3FB9];
	_ =	sdelay $0x3  }
0x37: {  	[smem:$0x3FB9] =	sst s10  }
0x38: {  	s10 =	sld [smem:$0x3FBA]  }
0x39: {  	_ = 	snop;
	(pc) =	sbr.ind lr, $3  }
0x3a: {  	_ = 	snop  }
0x3b: {  	_ = 	snop  }
0x3c: {  	p2 =	seq.s32 s10, $0x1;
	s10 =	sld [smem:$0x3FB9]  }
0x3d: {  	_ =	shalt  }
0x3e: {  	_ =	shalt  }
0x3f: {  	_ =	shalt  }
0x40: {  	_ =	shalt  }
0x41: {  	_ =	shalt  }
0x42: {  	_ =	shalt  }
0x43: {  	_ =	shalt  }
0x44: {  	_ =	shalt  }
0x45: {  	_ =	shalt  }
0x46: {  	_ =	shalt  }
0x47: {  	_ =	shalt  }
0x48: {  	_ =	shalt  }
0x49: {  	_ =	shalt  }
0x4a: {  	_ =	shalt  }
0x4b: {  	_ =	shalt  }
0x4c: {  	_ =	shalt  }
0x4d: {  	_ =	shalt  }
0x4e: {  	_ =	shalt  }
0x4f: {  	_ =	shalt  }
0x50: {  	_ =	shalt  }
0x51: {  	_ =	shalt  }
0x52: {  	_ =	shalt  }
0x53: {  	_ =	shalt  }
0x54: {  	_ =	shalt  }
0x55: {  	_ =	shalt  }
0x56: {  	_ =	shalt  }
0x57: {  	_ =	shalt  }
0x58: {  	_ =	shalt  }
0x59: {  	_ =	shalt  }
0x5a: {  	_ =	shalt  }
0x5b: {  	_ =	shalt  }
0x5c: {  	_ =	shalt  }
0x5d: {  	_ =	shalt  }
0x5e: {  	_ =	shalt  }
0x5f: {  	_ =	shalt  }
0x60: {  	_ =	shalt  }
0x61: {  	_ =	shalt  }
0x62: {  	_ =	shalt  }
0x63: {  	_ =	shalt  }
0x64: {  	_ =	shalt  }
0x65: {  	_ =	shalt  }
0x66: {  	_ =	shalt  }
0x67: {  	_ =	shalt  }
0x68: {  	_ =	shalt  }
0x69: {  	_ =	shalt  }
0x6a: {  	_ =	shalt  }
0x6b: {  	_ =	shalt  }
0x6c: {  	_ =	shalt  }
0x6d: {  	_ =	shalt  }
0x6e: {  	_ =	shalt  }
0x6f: {  	_ =	shalt  }
0x70: {  	_ =	shalt  }
0x71: {  	_ =	shalt  }
0x72: {  	_ =	shalt  }
0x73: {  	_ =	shalt  }
0x74: {  	_ =	shalt  }
0x75: {  	_ =	shalt  }
0x76: {  	_ =	shalt  }
0x77: {  	_ =	shalt  }
0x78: {  	_ =	shalt  }
0x79: {  	_ =	shalt  }
0x7a: {  	_ =	shalt  }
0x7b: {  	_ =	shalt  }
0x7c: {  	_ =	shalt  }
0x7d: {  	_ =	shalt  }
0x7e: {  	_ =	shalt  }
0x7f: {  	_ =	shalt  }
0x80: {  	_ =	shalt  }
0x81: {  	_ =	shalt  }
0x82: {  	_ =	shalt  }
0x83: {  	_ =	shalt  }
0x84: {  	_ =	shalt  }
0x85: {  	_ =	shalt  }
0x86: {  	_ =	shalt  }
0x87: {  	_ =	shalt  }
.Lfunc_end0:
.L_simem_size_0:
called_computation_lowered:
.L_overlay_start_0:
0x88: {  	s2 =	sld [smem:$0x3FD9]  }
0x89: {  	s3 =	sld [smem:$0x3FFE];
	_ =	sdelay $0x1  }
0x8a: {  	s1 =	srdreg.scid  }
0x8b: {  	s0 =	sand.u32 $0x1, s1  }
0x8c: {  	s16 =	sshll.u32 s0, $0xA;
	s2 =	sadd.s32 s3, s2  }
0x8d: {  	s2 =	sadd.s32 s2, s16  }
0x8e: {  	[smem:$0x3FC5] =	sst s2  }
0x8f: {  	_ = 	snop  }
0x90: {  	(tm) =	ssettm $0x1  }
0x91: {  	s17 =	sld [smem:$0x3FFB];
	_ =	sdelay $0x3  }
0x92: {  	_ =	strace s17  }
0x93: {  	s2 =	sld [smem:$0x3FFC];
	_ =	sdelay $0x3  }
0x94: {  	_ =	strace s2  }
0x95: {  	s2 =	sld [smem:$0x3FFD];
	_ =	sdelay $0x3  }
0x96: {  	_ =	strace s2  }
0x97: {  	_ =	strace $0x8FFFFFFF  }
0x98: {  	s18 =	sld [smem:$0x3FDB];
	_ =	sdelay $0x1  }
0x99: {  	s19 =	simm.s32 $_scs_section_size  }
0x9a: {  	s4 =	simm.s32 $_size__tile_overlayer_lowered;
	s5 =	simm.s32 $_tile_overlayer_lowered  }
0x9b: {  	s22 =	simm.s32 $0x1BFF;
	s21 =	sshll.u32 s5, $0x1;
	s2 =	sadd.s32 s19, s18  }
0x9c: {  	s6 =	simm.s32 $0x0;
	s20 =	sshll.u32 s4, $0x1;
	s4 =	sadd.s32 s21, s2  }
0x9d: {  	[timem:s6], [sflag:s22] =	dma.local [hbm:s4], s20  }
0x9e: {  	_ =	swait.ge [sflag:s22], s20  }
0x9f: {  	s3 =	ssub.s32 $0x0, s20;
	[sflag:s22] =	ssyncset.done $0x0  }
0xa0: {  	[sflag:s22] =	ssyncadd.s32 s3;
	_ =	sdelay $0x1  }
0xa1: {  	s23 =	simm.s32 $0x1B8B  }
0xa2: {  	_ =	swait.ge [sflag:s23], $0x1  }
0xa3: {  	[sflag:s23] =	ssyncset.done $0x0  }
0xa4: {  	s25 =	simm.s32 $0x1B8E;
	s24 =	sld [smem:$0x3FFE];
	[sflag:s23] =	ssyncadd.s32 $0xFFFFFFFF  }
0xa5: {  	s26 =	simm.s32 $execute0_lowered;
	[smem:$0x3FD2] =	sst s25  }
0xa6: {  	s4 =	sshll.u32 s26, $0x1;
	_ =	strace $0x80000046;
	[dreg:$0x1] =	wrdreg $0xFFFFFFFF  }
0xa7: {  	s28 =	simm.s32 $_size_execute0_lowered;
	s2 =	sadd.s32 s2, s4;
	[dreg:$0x0] =	wrdreg $0x0  }
0xa8: {  	s4 =	sshll.u32 s28, $0x1;
	[dreg:$0x2] =	wrdreg s2  }
0xa9: {  	[dreg:$0x3] =	wrdreg s4  }
0xaa: {  	[dreg:$0x4] =	wrdreg $0xC0  }
0xab: {  	_ =	task [dreg:s6], $0x5FFFF  }
0xac: {  	[dreg:$0x1] =	wrdreg $0xFFFFFFFF  }
0xad: {  	[dreg:$0x0] =	wrdreg $0x60  }
0xae: {  	[dreg:$0x2] =	wrdreg s24  }
0xaf: {  	[dreg:$0x3] =	wrdreg $0x9  }
0xb0: {  	_ =	task.clear_ibuf [dreg:s6], $0x4FFFF;
	_ =	strace $0x90000046  }
0xb1: {  	s29 =	simm.s32 $0x9;
	_ =	strace $0x80000048  }
0xb2: {  	_ =	swait.ge [sflag:s29], $0x1  }
0xb3: {  	[sflag:s29] =	ssyncadd.s32 $0xFFFFFFFF  }
0xb4: {  	_ =	strace $0x90000048  }
0xb5: {  	_ =	sfence  }
0xb6: {  	s30 =	sld [smem:$0x0];
	_ =	sdelay $0x2  }
0xb7: {  	s31 =	sshll.u32 s1, $0xD;
	s1 =	sshrl.u32 s1, $0x2  }
0xb8: {  	s3 =	sand.u32 $0x4000, s31;
	s1 =	sadd.s32 s1, s30  }
0xb9: {  	s0 =	sor.u32 s3, s0;
	s1 =	sshll.u32 s1, $0x11  }
0xba: {  	s0 =	sor.u32 s1, s0  }
0xbb: {  	s0 =	sadd.s32 $0x8F2B, s0  }
0xbc: {  	[sflag:s0] =	ssyncadd.remote.s32 $0x1  }
0xbd: {  	_ =	sfence.sel $0xFFFF  }
0xbe: {  	[dreg:$0x0] =	wrdreg $0xFFFFFFFF;
	(pc) =	sbr.abs _section_cstart, $3  }
0xbf: {  	[dreg:$0x1] =	wrdreg $0xFFFFFFFF  }
0xc0: {  	_ =	task.clear_ibuf [dreg:s6], $0x2FFFF;
	_ =	strace $0x9FFFFFFF  }
0xc1: {  	(tm) =	ssettm $0x7FFFFFFF  }
tec
execute0_lowered:
.L_overlay_start_1:
0x0: {  	(tag) =	ssettag $0x1  }
0x1: {  	s0 =	srdreg.scid  }
0x2: {  	s1 =	sshll.u32 s0, $0x4  }
0x3: {  	s0 =	stileid.u32;
	s1 =	sand.u32 $0x10, s1  }
0x4: {  	s2 =	sor.u32 s0, s1  }
0x5: {  	s1 =	smin.u32 s2, $0x12  }
0x6: {  	s1 =	sadd.s32 s2, s1  }
0x7: {  	p0 =	slt.u32 s2, $0x12;
	s2 =	simm.s32 $0x320;
	s1 =	smul.u32 $0x190, s1  }
0x8: {  	s2 =	simm.s32 @!p0 $0x190  }
0x9: {  	s2 =	sadd.s32 s2, s1  }
0xa: {  	s3 =	smin.u32 s2, $0x4E20  }
0xb: {  	s7 =	ssub.s32 s3, s1  }
0xc: {  	p0 =	sgt.s32 s7, $0x0  }
0xd: {  	s7 =	simm.s32 @!p0 $0x0  }
0xe: {  	s31 =	sand.u32 $0xFFF0, s7  }
0xf: {  	s2 =	sshrl.u32 s31, $0x4  }
0x10: {  	s2 =	smul.u32 $0xA3E, s2  }
0x11: {  	s4 =	rddreg [dreg:$0x0];
	s6 =	simm.s32 $0x1  }
0x12: {  	s10 =	simm.s32 $0x3;
	s13 =	simm.s32 $0x0;
	s8 =	sshrl.u32 s2, $0x10  }
0x13: {  	s12 =	simm.s32 $0x0;
	s5 =	sadd.s32 $0xA00, s4;
	s9 =	smul.u32 $0x190, s8  }
.Ltmp0:
0x14: {  	s11 =	smov.u32 s1;
	s2 =	rddreg [dreg:$0x1];
	(pc) =	sbr.rel .LBB2_1-.Ltmp0, $4  }
0x15: {  	_ =	strace $0x80000047;
	p0 =	sne.s32 s7, s9;
	s9 =	simm.s32 $0x1  }
0x16: {  	[sflag:s6] =	ssyncpa.u1 $0x0;
	s7 =	simm.s32 $0x2;
	s9 =	simm.s32 @!p0 $0x0  }
0x17: {  	[sflag:s7] =	ssyncpa.u1 $0x0;
	p0 =	por $0x0, $0x0;
	s8 =	sadd.s32 s8, s9  }
0x18: {  	vm0 =	vmmov $0xff;
	vm1 =	vcmask $0x3F20;
	s9 =	sadd.s32 $0x4EC00, s4;
	[sflag:s10] =	ssyncpa.u1 $0x0;
	s10 =	sadd.s32 $0x1, s8  }
.LBB2_6:
0x19: {  	[hbm:s17] =	stream.linear.scatter [tilespmem:s14], [sflag:$0x3], $0x400, $0x38;
	[tilespmem:$0x19320] =	vst v63  }
.LBB2_7:
0x1a: {  	s13 =	sadd.s32 $0x190, s11  }
0x1b: {  	s15 =	smov.u32 s1;
	p2 =	slt.s32 s13, s3  }
0x1c: {  	s15 =	smov.u32 @p2 s13;
	p2 =	sne.s32 s12, s10  }
.Ltmp1:
0x1d: {  	p1 =	slt.u32 s12, $0x2;
	(pc) =	sbr.rel @!p2 .LBB2_8-.Ltmp1, $4  }
0x1e: {  	s14 =	simm.s32 @!p1 $0x3  }
0x1f: {  	s16 =	sadd.s32 $0x1, s12;
	_ =	swait.ge @!p1 [sflag:s14], $0xC800  }
0x20: {  	p0 =	por !p0, !p0;
	s13 =	smov.u32 s11;
	[sflag:s14] =	ssyncset.done @!p1 $0x0  }
0x21: {  	s12 =	smov.u32 s16;
	s11 =	smov.u32 s15;
	[sflag:s14] =	ssyncadd.s32 @!p1 $0xFFFF3800  }
.LBB2_1:
0x22: {  	p1 =	sge.u32 s12, s8  }
0x23: {  	s14 =	sxor.u32 @!p1 $0xFFFFFFFF, s12  }
0x24: {  	s14 =	sand.u32 @!p1 $0x1, s14  }
0x25: {  	s14 =	smul.u32 @!p1 $0x640, s14  }
0x26: {  	s31 =	sadd.s32 $0xFFFFFFFF, s12;
	s15 =	sshrl.u32 @!p1 s11, $0x3  }
0x27: {  	s16 =	sand.u32 @!p1 $0x7, s11;
	s15 =	sadd.s32 @!p1 s4, s15;
	s14 =	sshrl.u32 @!p1 s14, $0x2  }
0x28: {  	[tilespmem:s14], [sflag:$0x2] =	stream.linear.gather @!p1 [hbm4b:s15+s16], $0x190, $0x38;
	[tilespmem:$0x19320] =	vst v63  }
0x29: {  	p1 =	sge.u32 s31, s8  }
.Ltmp2:
0x2a: {  	_ = 	snop;
	(pc) =	sbr.rel @p1 .LBB2_7-.Ltmp2, $1  }
0x2b: {  	_ =	sdelay $0x3  }
0x2c: {  	s14 =	simm.s32 $0x1  }
0x2d: {  	s14 =	simm.s32 @!p0 $0x0  }
0x2e: {  	s15 =	smul.u32 $0x640, s14  }
0x2f: {  	_ =	swait.ge [sflag:s7], $0x190  }
0x30: {  	[sflag:s7] =	ssyncset.done $0x0;
	s16 =	sshrl.u32 s15, $0x2  }
0x31: {  	[sflag:s7] =	ssyncadd.s32 $0xFFFFFE70;
	s15 =	sadd.s32 $0x0, s16  }
0x32: {  	v0 =	vld.msk [tilespmem:s15+$0x0 ss:$0x1], $0xffff;
	_ =	sdelay $0x4  }
0x33: {  	vm2 =	vgt.s32 v0, $0x0  }
0x34: {  	v0 =	vnsel vm2, $0x0, v0  }
0x35: {  	v0 =	vmin.u32 v0, $0x4E1F  }
0x36: {  	v0 =	vshll.u32 v0, $0x4  }
0x37: {  	s14 =	smul.u32 $0x32000, s14;
	_ =	sdelay $0x1  }
0x38: {  	s14 =	sshrl.u32 s14, $0x2  }
0x39: {  	s14 =	sor.u32 $0x320, s14  }
0x3a: {  	[tilespmem:s14], [sflag:$0x1] =	stream.indirect_vreg.gather [hbm:s5], $0x80, v0, vm0, $0x38;
	[tilespmem:$0x19320] =	vst v63  }
0x3b: {  	s17 =	sadd.s32 $0x10, s16;
	s15 =	sadd.s32 $0x400, s14  }
0x3c: {  	[tilespmem:s15], [sflag:$0x1] =	stream.indirect_vreg.gather [hbm:s5], $0x80, v0, vm1, $0x38;
	[tilespmem:$0x19320] =	vst v63  }
0x3d: {  	s18 =	simm.s32 $0x80;
	v0 =	vld.msk [tilespmem:s17+$0x0 ss:$0x1], $0xffff;
	s17 =	smov.u32 s14  }
.LBB2_3:
0x3e: {  	p1 =	sne.s32 s18, $0x600;
	_ =	sdelay $0x4  }
0x3f: {  	vm2 =	vgt.s32 v0, $0x0  }
0x40: {  	v0 =	vnsel vm2, $0x0, v0  }
0x41: {  	v0 =	vmin.u32 v0, $0x4E1F  }
0x42: {  	v0 =	vshll.u32 v0, $0x4;
	_ =	sdelay $0x3  }
.Ltmp3:
0x43: {  	s19 =	sshra.s32 s18, $0x2;
	s17 =	sadd.s32 $0x800, s17;
	(pc) =	sbr.rel @p1 .LBB2_3-.Ltmp3, $4  }
0x44: {  	[tilespmem:s17], [sflag:$0x1] =	stream.indirect_vreg.gather [hbm:s5], $0x80, v0, vm0, $0x38;
	[tilespmem:$0x19320] =	vst v63  }
0x45: {  	s19 =	sadd.s32 s19, s16;
	s20 =	sadd.s32 $0x400, s17  }
0x46: {  	[tilespmem:s20], [sflag:$0x1] =	stream.indirect_vreg.gather [hbm:s5], $0x80, v0, vm1, $0x38;
	[tilespmem:$0x19320] =	vst v63  }
0x47: {  	s18 =	sadd.s32 $0x40, s18;
	v0 =	vld.msk [tilespmem:s19+$0x0 ss:$0x1], $0xffff  }
0x48: {  	_ =	sdelay $0x3  }
0x49: {  	vm2 =	vgt.s32 v0, $0x0  }
0x4a: {  	v0 =	vnsel vm2, $0x0, v0  }
0x4b: {  	v0 =	vmin.u32 v0, $0x4E1F  }
0x4c: {  	v0 =	vshll.u32 v0, $0x4;
	_ =	sdelay $0x3  }
0x4d: {  	s16 =	sadd.s32 $0x800, s17  }
0x4e: {  	[tilespmem:s16], [sflag:$0x1] =	stream.indirect_vreg.gather [hbm:s5], $0x80, v0, vm0, $0x38;
	[tilespmem:$0x19320] =	vst v63  }
0x4f: {  	s16 =	sadd.s32 $0x400, s16  }
0x50: {  	[tilespmem:s16], [sflag:$0x1] =	stream.indirect_vreg.gather [hbm:s5], $0x80, v0, vm1, $0x38;
	[tilespmem:$0x19320] =	vst v63  }
0x51: {  	s13 =	sshll.u32 s13, $0x4;
	_ =	swait.ge [sflag:s6], $0xC800  }
0x52: {  	s13 =	sadd.s32 s13, s9;
	[sflag:s6] =	ssyncset.done $0x0  }
0x53: {  	s17 =	sadd.s32 $0x0, s13;
	s16 =	simm.s32 $0x80;
	[sflag:s6] =	ssyncadd.s32 $0xFFFF3800  }
.LBB2_5:
0x54: {  	[hbm:s17] =	stream.linear.scatter [tilespmem:s14], [sflag:$0x3], $0x400, $0x38;
	[tilespmem:$0x19320] =	vst v63  }
0x55: {  	s17 =	smov.u32 s16;
	s14 =	smov.u32 s15;
	p1 =	sne.s32 s16, $0x1880  }
.Ltmp4:
0x56: {  	s16 =	sadd.s32 $0x80, s16;
	(pc) =	sbr.rel @p1 .LBB2_5-.Ltmp4, $2  }
0x57: {  	_ =	sdelay $0x2  }
0x58: {  	s15 =	sadd.s32 $0x400, s15;
	s17 =	sadd.s32 s17, s13  }
.Ltmp5:
0x59: {  	_ = 	snop;
	(pc) =	sbr.rel .LBB2_6-.Ltmp5, $1  }
0x5a: {  	_ =	sdelay $0x3  }
.LBB2_8:
0x5b: {  	_ =	sfence.sel $0x180000  }
0x5c: {  	s1 =	simm.s32 $0x2;
	[bflag:$0x0] =	sbarrier.arrive $0xFFFF  }
0x5d: {  	s30 =	simm.s32 $0x3;
	[sflag:s1] =	ssyncpa.u1 $0x1  }
0x5e: {  	s31 =	simm.s32 $0x1;
	[sflag:s30] =	ssyncpa.u1 $0x1  }
0x5f: {  	[sflag:s31] =	ssyncpa.u1 $0x1  }
0x60: {  	p0 =	sne.s32 s0, $0x0;
	_ =	strace $0x90000047  }
0x61: {  	s0 =	sadd.s32 @!p0 $0x100000, s2;
	[bflag:$0x2] =	sbarrier.arrive $0xFFFF  }
0x62: {  	[sflag:s0] =	ssyncadd.tile.s32 @!p0 $0x1;
	_ =	shalt  }
.Lfunc_end2:
_tile_overlayer_lowered:
.L_overlay_start_2:
0x63: {  	(tag) =	ssettag $0x2  }
0x64: {  	s0 =	rddreg [dreg:$0x0];
	s2 =	stileid.u32  }
0x65: {  	s1 =	rddreg [dreg:$0x1];
	p0 =	sne.s32 s2, $0x0  }
0x66: {  	s3 =	rddreg [dreg:$0x2];
	[bflag:$0x3] =	sbarrier.arrive $0xFFFF;
	s2 =	simm.s32 @!p0 $0x1C01  }
0x67: {  	[timem:s3], [sflag:s2] =	dma.local @!p0 [hbm:s0], s1  }
0x68: {  	s0 =	simm.s32 @!p0 $0x1  }
0x69: {  	_ =	swait.ge @!p0 [sflag:s0], s1  }
0x6a: {  	s1 =	ssub.s32 @!p0 $0x0, s1;
	[sflag:s0] =	ssyncset.done @!p0 $0x0  }
0x6b: {  	[sflag:s0] =	ssyncadd.s32 @!p0 s1  }
0x6c: {  	[bflag:$0x3] =	sbarrier.arrive $0xFFFF  }
0x6d: {  	_ =	shalt  }

</sc_bundles>
